<compile_context>
chip_gen: v7x
topology: tpu7x:2x2x1
jax: 0.10.2.dev20260603
libtpu: 0.0.44.dev20260713+nightly
codegen_flags: <defaults>
</compile_context>

<pallas_src>
import functools

import jax
import jax.numpy as jnp
from jax import lax
from jax.experimental import pallas as pl
from jax.experimental.pallas import tpu as pltpu
from jax.experimental.pallas import tpu_sc as plsc

_info = plsc.get_sparse_core_info()
_NC, _NS, _L = _info.num_cores, _info.num_subcores, _info.num_lanes
_NW = _NC * _NS

_B = 1024
_S = 20
_V = 64
_E = 64
_GPAD = 8
_GREAL = 6
_TOK = _B * _S
_TPT = _TOK // _NW
_CHUNK = 128
_NCHUNK = _TPT // _CHUNK

_mesh = plsc.VectorSubcoreMesh(core_axis_name="c", subcore_axis_name="s")
_sc_params = pltpu.CompilerParams(use_tc_tiling_on_sc=False)


_WPG = 8


def _emb_body(blk_ids, lane_ids, *refs):
    nblk = _WPG * _GREAL
    tt_blks = refs[:nblk]
    cntb_blk, emb_blk, acc = refs[nblk], refs[nblk + 1], refs[nblk + 2]
    g = pl.program_id(0)
    iota = lax.broadcasted_iota(jnp.int32, (1, 128), 1)
    upd = jnp.zeros((_V, _E), jnp.float32)
    for j in range(_WPG):
        w = g * _WPG + j
        row = jnp.zeros((1, _E), jnp.float32)
        for k in range(_GREAL):
            lane = lane_ids[w * _GPAD + k]
            onehot = (iota == lane).astype(jnp.float32)
            row = row + lax.dot_general(onehot, tt_blks[j * _GREAL + k][...],
                                        (((1,), (1,)), ((), ())),
                                        preferred_element_type=jnp.float32)
        wmask = lax.broadcasted_iota(jnp.int32, (_V, _E), 0) == w
        upd = upd + jnp.where(wmask, jnp.broadcast_to(row, (_V, _E)), 0.0)

    @pl.when(g == 0)
    def _():
        acc[...] = upd

    @pl.when(g > 0)
    def _():
        acc[...] = acc[...] + upd

    @pl.when(g == _V // _WPG - 1)
    def _():
        emb_blk[...] = acc[...] / cntb_blk[...]


def _make_tt_spec(j, k):
    def im(g, blk, lane, _j=j, _k=k):
        return (0, blk[(g * _WPG + _j) * _GPAD + _k])
    return pl.BlockSpec((_E, 128), im)


_build_emb = pl.pallas_call(
    _emb_body,
    grid_spec=pltpu.PrefetchScalarGridSpec(
        num_scalar_prefetch=2,
        grid=(_V // _WPG,),
        in_specs=[_make_tt_spec(j, k) for j in range(_WPG) for k in range(_GREAL)]
        + [pl.BlockSpec((_V, _E), lambda g, blk, lane: (0, 0))],
        out_specs=pl.BlockSpec((_V, _E), lambda g, blk, lane: (0, 0)),
        scratch_shapes=[pltpu.VMEM((_V, _E), jnp.float32)],
    ),
    out_shape=jax.ShapeDtypeStruct((_V, _E), jnp.float32),
)


@functools.partial(
    pl.kernel,
    mesh=_mesh,
    compiler_params=_sc_params,
    out_type=jax.ShapeDtypeStruct((_TOK, _E), jnp.float32),
    scratch_types=[
        pltpu.VMEM((_NCHUNK, _CHUNK), jnp.int32),
        pltpu.VMEM((_TPT, _E), jnp.float32),
        pltpu.SemaphoreType.DMA,
    ],
)
def _expand(emb_hbm, idx_hbm, out_hbm, idx_v, rows_v, sem):
    wid = lax.axis_index("s") * _NC + lax.axis_index("c")
    pltpu.sync_copy(idx_hbm.at[wid], idx_v)
    copies = []
    for j in range(_NCHUNK):
        copies.append(
            pltpu.async_copy(
                emb_hbm.at[idx_v.at[j]],
                rows_v.at[pl.ds(j * _CHUNK, _CHUNK)],
                sem,
            )
        )
    for c in copies:
        c.wait()
    pltpu.sync_copy(rows_v, out_hbm.at[pl.ds(wid * _TPT, _TPT)])


def kernel(word_idx, table, ngram_idx, ngram_cnt):
    tt = table.T
    idxp = jnp.pad(ngram_idx, ((0, 0), (0, _GPAD - ngram_idx.shape[1])))
    idxf = idxp.reshape(_V * _GPAD)
    blk_ids = idxf // 128
    lane_ids = idxf % 128
    cntb = jnp.broadcast_to(ngram_cnt[:, None], (_V, _E))
    emb = _build_emb(blk_ids, lane_ids, *([tt] * (_WPG * _GREAL)), cntb)
    tok_idx = word_idx.reshape(_NW, _NCHUNK, _CHUNK)
    out = _expand(emb, tok_idx)
    return out.reshape(word_idx.shape + (_E,))

# --- scband reference (transcript-rebuilt; emitter-appended) ---
"""Pipeline reference for scband-n-gram-embedding-87522843558257 (READ-ONLY COPY).

The authoritative reference and input builder live on the scoring server;
editing this copy changes nothing except your own understanding.
"""

import jax, jax.numpy as jnp
import numpy as np

N_GRAM_SIZE = 100000
EMB_SIZE = 64
N = 3
V = 64
BATCH = 1024
SEQ = 20
MAX_NGRAMS = 6


def _build_vocab_tables():
    # Precompute, per word-id, the padded list of hashed n-gram ids and the count,
    # exactly mirroring N_Gram_Embedding._get_n_grams / _hash.
    n_grams_mod = N_GRAM_SIZE - 4
    idx = np.zeros((V, MAX_NGRAMS), dtype=np.int32)
    cnt = np.zeros((V,), dtype=np.float32)
    for wi in range(V):
        if wi < 4:
            # special tokens: direct embedding lookup of the id itself
            idx[wi, 0] = wi
            cnt[wi] = 1.0
        else:
            word = 'w%d' % wi
            gs = []
            for i in range(1, 1 + N):
                gs += [hash(word[j:j + i]) % n_grams_mod + 4 for j in range(len(word) - i + 1)]
            idx[wi, :len(gs)] = np.asarray(gs, dtype=np.int32)
            cnt[wi] = float(len(gs))
    return idx, cnt


def setup_inputs(seed: int = 0) -> dict:
    key = jax.random.key(seed)
    k1, k2 = jax.random.split(key)
    word_idx = jax.random.randint(k1, (BATCH, SEQ), 0, V)
    table = jax.random.normal(k2, (N_GRAM_SIZE, EMB_SIZE), dtype=jnp.float32)
    table = table.at[0].set(0.0)  # padding_idx=0 row is zero
    ngram_idx_np, ngram_cnt_np = _build_vocab_tables()
    return {
        'word_idx': word_idx,
        'table': table,
        'ngram_idx': jnp.asarray(ngram_idx_np),
        'ngram_cnt': jnp.asarray(ngram_cnt_np),
    }


def reference(word_idx, table, ngram_idx, ngram_cnt):
    # (B, S) -> (B, S, L) hashed n-gram ids per token (padded with 0 = padding_idx)
    tok_ngrams = jnp.take(ngram_idx, word_idx, axis=0)
    tok_cnt = jnp.take(ngram_cnt, word_idx, axis=0)  # (B, S)
    gathered = jnp.take(table, tok_ngrams, axis=0)   # (B, S, L, E)
    # mask padding lookups (id 0); matches padding_idx=0 semantics (zero row, no grad)
    mask = (tok_ngrams != 0).astype(table.dtype)[..., None]
    emb = (gathered * mask).sum(axis=2) / tok_cnt[..., None]  # mean over real n-grams
    return emb

if __name__ == "__main__":
    import jax
    _d = setup_inputs()
    print(jax.jit(kernel)(*tuple(_d.values())))

</pallas_src>

<mosaic_0001>
#map = affine_map<(d0, d1) -> (0, 0)>
#map1 = affine_map<(d0, d1) -> (0, 0, 0)>
module attributes {stable_mosaic.version = 14 : i64} {
  func.func @_expand(%arg0: i32, %arg1: i32, %arg2: memref<64x64xf32, #tpu.memory_space<hbm>>, %arg3: memref<32x5x128xi32, #tpu.memory_space<hbm>>, %arg4: memref<20480x64xf32, #tpu.memory_space<hbm>>, %arg5: memref<5x128xi32, #tpu.memory_space<vmem>>, %arg6: memref<640x64xf32, #tpu.memory_space<vmem>>, %arg7: memref<!tpu.dma_semaphore, #tpu.memory_space<semaphore_mem>>) attributes {dimension_semantics = [#tpu.dimension_semantics<core_parallel>, #tpu.dimension_semantics<subcore_parallel>], iteration_bounds = array<i64: 2, 16>, scalar_prefetch = 0 : i64, scratch_operands = 3 : i64, tpu.core_type = #tpu.core_type<sc_vector_subcore>, window_params = [{transform_indices = #map}, {transform_indices = #map1}, {transform_indices = #map}]} {
    %mul3A = arith.constant 2 : i32
    %mul3A_0 = arith.muli %arg1, %mul3A : i32
    %add3A = arith.addi %mul3A_0, %arg0 : i32
    "tpu.region"() ({
      %run_scoped3A = tpu.sem_alloc : memref<!tpu.dma_semaphore, #tpu.memory_space<semaphore_mem>>
      %dma_start3A_101 = arith.constant 0 : i32
      %dma_start3A_102 = arith.constant 0 : i32
      %dma_start3A_103 = tpu.memref_slice %arg3[%add3A, %dma_start3A_101, %dma_start3A_102] : memref<32x5x128xi32, #tpu.memory_space<hbm>> -> memref<1x5x128xi32, #tpu.memory_space<hbm>>
      %dma_start3A_104 = tpu.memref_squeeze %dma_start3A_103 : memref<1x5x128xi32, #tpu.memory_space<hbm>> -> memref<5x128xi32, #tpu.memory_space<hbm>>
      %dma_start3A_105 = arith.constant 0 : i32
      %dma_start3A_106 = arith.constant 0 : i32
      %dma_start3A_107 = tpu.memref_slice %arg3[%add3A, %dma_start3A_105, %dma_start3A_106] : memref<32x5x128xi32, #tpu.memory_space<hbm>> -> memref<1x5x128xi32, #tpu.memory_space<hbm>>
      %dma_start3A_108 = tpu.memref_squeeze %dma_start3A_107 : memref<1x5x128xi32, #tpu.memory_space<hbm>> -> memref<5x128xi32, #tpu.memory_space<hbm>>
      tpu.enqueue_dma source(%dma_start3A_108 : memref<5x128xi32, #tpu.memory_space<hbm>>) target(%arg5 : memref<5x128xi32, #tpu.memory_space<vmem>>) target_semaphore(%run_scoped3A : memref<!tpu.dma_semaphore, #tpu.memory_space<semaphore_mem>>)
      %dma_wait3A_109 = arith.constant 0 : i32
      %dma_wait3A_110 = arith.constant 0 : i32
      %dma_wait3A_111 = tpu.memref_slice %arg3[%add3A, %dma_wait3A_109, %dma_wait3A_110] : memref<32x5x128xi32, #tpu.memory_space<hbm>> -> memref<1x5x128xi32, #tpu.memory_space<hbm>>
      %dma_wait3A_112 = tpu.memref_squeeze %dma_wait3A_111 : memref<1x5x128xi32, #tpu.memory_space<hbm>> -> memref<5x128xi32, #tpu.memory_space<hbm>>
      %dma_wait3A_113 = arith.constant 0 : i32
      %dma_wait3A_114 = arith.constant 0 : i32
      %dma_wait3A_115 = tpu.memref_slice %arg3[%add3A, %dma_wait3A_113, %dma_wait3A_114] : memref<32x5x128xi32, #tpu.memory_space<hbm>> -> memref<1x5x128xi32, #tpu.memory_space<hbm>>
      %dma_wait3A_116 = tpu.memref_squeeze %dma_wait3A_115 : memref<1x5x128xi32, #tpu.memory_space<hbm>> -> memref<5x128xi32, #tpu.memory_space<hbm>>
      tpu.wait_dma2 semaphore(%run_scoped3A : memref<!tpu.dma_semaphore, #tpu.memory_space<semaphore_mem>>) src(%dma_wait3A_116 : memref<5x128xi32, #tpu.memory_space<hbm>>) dst(%arg5 : memref<5x128xi32, #tpu.memory_space<vmem>>)
      tpu.yield
    }) : () -> ()
    %dma_start3A = arith.constant 0 : i32
    %dma_start3A_1 = arith.constant 0 : i32
    %dma_start3A_2 = arith.constant 0 : i32
    %dma_start3A_3 = tpu.memref_slice %arg6[%dma_start3A_1, %dma_start3A_2] : memref<640x64xf32, #tpu.memory_space<vmem>> -> memref<128x64xf32, #tpu.memory_space<vmem>>
    %dma_start3A_4 = arith.constant 0 : i32
    %dma_start3A_5 = tpu.memref_slice %arg5[%dma_start3A, %dma_start3A_4] : memref<5x128xi32, #tpu.memory_space<vmem>> -> memref<1x128xi32, #tpu.memory_space<vmem>>
    %dma_start3A_6 = tpu.memref_squeeze %dma_start3A_5 : memref<1x128xi32, #tpu.memory_space<vmem>> -> memref<128xi32, #tpu.memory_space<vmem>>
    %dma_start3A_7 = arith.constant 0 : i32
    %dma_start3A_8 = arith.constant 0 : i32
    %dma_start3A_9 = tpu.memref_slice %arg2[%dma_start3A_7, %dma_start3A_8] : memref<64x64xf32, #tpu.memory_space<hbm>> -> memref<64x64xf32, #tpu.memory_space<hbm>>
    tpu.enqueue_indirect_dma source(%dma_start3A_9 : memref<64x64xf32, #tpu.memory_space<hbm>>) target(%dma_start3A_3 : memref<128x64xf32, #tpu.memory_space<vmem>>) offsets(%dma_start3A_6 : memref<128xi32, #tpu.memory_space<vmem>>) semaphore(%arg7 : memref<!tpu.dma_semaphore, #tpu.memory_space<semaphore_mem>>)
    %dma_start3A_10 = arith.constant 1 : i32
    %dma_start3A_11 = arith.constant 128 : i32
    %dma_start3A_12 = arith.constant 0 : i32
    %dma_start3A_13 = tpu.memref_slice %arg6[%dma_start3A_11, %dma_start3A_12] : memref<640x64xf32, #tpu.memory_space<vmem>> -> memref<128x64xf32, #tpu.memory_space<vmem>>
    %dma_start3A_14 = arith.constant 0 : i32
    %dma_start3A_15 = tpu.memref_slice %arg5[%dma_start3A_10, %dma_start3A_14] : memref<5x128xi32, #tpu.memory_space<vmem>> -> memref<1x128xi32, #tpu.memory_space<vmem>>
    %dma_start3A_16 = tpu.memref_squeeze %dma_start3A_15 : memref<1x128xi32, #tpu.memory_space<vmem>> -> memref<128xi32, #tpu.memory_space<vmem>>
    %dma_start3A_17 = arith.constant 0 : i32
    %dma_start3A_18 = arith.constant 0 : i32
    %dma_start3A_19 = tpu.memref_slice %arg2[%dma_start3A_17, %dma_start3A_18] : memref<64x64xf32, #tpu.memory_space<hbm>> -> memref<64x64xf32, #tpu.memory_space<hbm>>
    tpu.enqueue_indirect_dma source(%dma_start3A_19 : memref<64x64xf32, #tpu.memory_space<hbm>>) target(%dma_start3A_13 : memref<128x64xf32, #tpu.memory_space<vmem>>) offsets(%dma_start3A_16 : memref<128xi32, #tpu.memory_space<vmem>>) semaphore(%arg7 : memref<!tpu.dma_semaphore, #tpu.memory_space<semaphore_mem>>)
    %dma_start3A_20 = arith.constant 2 : i32
    %dma_start3A_21 = arith.constant 256 : i32
    %dma_start3A_22 = arith.constant 0 : i32
    %dma_start3A_23 = tpu.memref_slice %arg6[%dma_start3A_21, %dma_start3A_22] : memref<640x64xf32, #tpu.memory_space<vmem>> -> memref<128x64xf32, #tpu.memory_space<vmem>>
    %dma_start3A_24 = arith.constant 0 : i32
    %dma_start3A_25 = tpu.memref_slice %arg5[%dma_start3A_20, %dma_start3A_24] : memref<5x128xi32, #tpu.memory_space<vmem>> -> memref<1x128xi32, #tpu.memory_space<vmem>>
    %dma_start3A_26 = tpu.memref_squeeze %dma_start3A_25 : memref<1x128xi32, #tpu.memory_space<vmem>> -> memref<128xi32, #tpu.memory_space<vmem>>
    %dma_start3A_27 = arith.constant 0 : i32
    %dma_start3A_28 = arith.constant 0 : i32
    %dma_start3A_29 = tpu.memref_slice %arg2[%dma_start3A_27, %dma_start3A_28] : memref<64x64xf32, #tpu.memory_space<hbm>> -> memref<64x64xf32, #tpu.memory_space<hbm>>
    tpu.enqueue_indirect_dma source(%dma_start3A_29 : memref<64x64xf32, #tpu.memory_space<hbm>>) target(%dma_start3A_23 : memref<128x64xf32, #tpu.memory_space<vmem>>) offsets(%dma_start3A_26 : memref<128xi32, #tpu.memory_space<vmem>>) semaphore(%arg7 : memref<!tpu.dma_semaphore, #tpu.memory_space<semaphore_mem>>)
    %dma_start3A_30 = arith.constant 3 : i32
    %dma_start3A_31 = arith.constant 384 : i32
    %dma_start3A_32 = arith.constant 0 : i32
    %dma_start3A_33 = tpu.memref_slice %arg6[%dma_start3A_31, %dma_start3A_32] : memref<640x64xf32, #tpu.memory_space<vmem>> -> memref<128x64xf32, #tpu.memory_space<vmem>>
    %dma_start3A_34 = arith.constant 0 : i32
    %dma_start3A_35 = tpu.memref_slice %arg5[%dma_start3A_30, %dma_start3A_34] : memref<5x128xi32, #tpu.memory_space<vmem>> -> memref<1x128xi32, #tpu.memory_space<vmem>>
    %dma_start3A_36 = tpu.memref_squeeze %dma_start3A_35 : memref<1x128xi32, #tpu.memory_space<vmem>> -> memref<128xi32, #tpu.memory_space<vmem>>
    %dma_start3A_37 = arith.constant 0 : i32
    %dma_start3A_38 = arith.constant 0 : i32
    %dma_start3A_39 = tpu.memref_slice %arg2[%dma_start3A_37, %dma_start3A_38] : memref<64x64xf32, #tpu.memory_space<hbm>> -> memref<64x64xf32, #tpu.memory_space<hbm>>
    tpu.enqueue_indirect_dma source(%dma_start3A_39 : memref<64x64xf32, #tpu.memory_space<hbm>>) target(%dma_start3A_33 : memref<128x64xf32, #tpu.memory_space<vmem>>) offsets(%dma_start3A_36 : memref<128xi32, #tpu.memory_space<vmem>>) semaphore(%arg7 : memref<!tpu.dma_semaphore, #tpu.memory_space<semaphore_mem>>)
    %dma_start3A_40 = arith.constant 4 : i32
    %dma_start3A_41 = arith.constant 512 : i32
    %dma_start3A_42 = arith.constant 0 : i32
    %dma_start3A_43 = tpu.memref_slice %arg6[%dma_start3A_41, %dma_start3A_42] : memref<640x64xf32, #tpu.memory_space<vmem>> -> memref<128x64xf32, #tpu.memory_space<vmem>>
    %dma_start3A_44 = arith.constant 0 : i32
    %dma_start3A_45 = tpu.memref_slice %arg5[%dma_start3A_40, %dma_start3A_44] : memref<5x128xi32, #tpu.memory_space<vmem>> -> memref<1x128xi32, #tpu.memory_space<vmem>>
    %dma_start3A_46 = tpu.memref_squeeze %dma_start3A_45 : memref<1x128xi32, #tpu.memory_space<vmem>> -> memref<128xi32, #tpu.memory_space<vmem>>
    %dma_start3A_47 = arith.constant 0 : i32
    %dma_start3A_48 = arith.constant 0 : i32
    %dma_start3A_49 = tpu.memref_slice %arg2[%dma_start3A_47, %dma_start3A_48] : memref<64x64xf32, #tpu.memory_space<hbm>> -> memref<64x64xf32, #tpu.memory_space<hbm>>
    tpu.enqueue_indirect_dma source(%dma_start3A_49 : memref<64x64xf32, #tpu.memory_space<hbm>>) target(%dma_start3A_43 : memref<128x64xf32, #tpu.memory_space<vmem>>) offsets(%dma_start3A_46 : memref<128xi32, #tpu.memory_space<vmem>>) semaphore(%arg7 : memref<!tpu.dma_semaphore, #tpu.memory_space<semaphore_mem>>)
    %dma_wait3A = arith.constant 0 : i32
    %dma_wait3A_50 = arith.constant 0 : i32
    %dma_wait3A_51 = arith.constant 0 : i32
    %dma_wait3A_52 = tpu.memref_slice %arg6[%dma_wait3A_50, %dma_wait3A_51] : memref<640x64xf32, #tpu.memory_space<vmem>> -> memref<128x64xf32, #tpu.memory_space<vmem>>
    %dma_wait3A_53 = arith.constant 0 : i32
    %dma_wait3A_54 = tpu.memref_slice %arg5[%dma_wait3A, %dma_wait3A_53] : memref<5x128xi32, #tpu.memory_space<vmem>> -> memref<1x128xi32, #tpu.memory_space<vmem>>
    %dma_wait3A_55 = tpu.memref_squeeze %dma_wait3A_54 : memref<1x128xi32, #tpu.memory_space<vmem>> -> memref<128xi32, #tpu.memory_space<vmem>>
    %dma_wait3A_56 = arith.constant 0 : i32
    %dma_wait3A_57 = arith.constant 0 : i32
    %dma_wait3A_58 = tpu.memref_slice %arg2[%dma_wait3A_56, %dma_wait3A_57] : memref<64x64xf32, #tpu.memory_space<hbm>> -> memref<64x64xf32, #tpu.memory_space<hbm>>
    tpu.wait_indirect_dma semaphore(%arg7 : memref<!tpu.dma_semaphore, #tpu.memory_space<semaphore_mem>>) src(%dma_wait3A_58 : memref<64x64xf32, #tpu.memory_space<hbm>>) dst(%dma_wait3A_52 : memref<128x64xf32, #tpu.memory_space<vmem>>)
    %dma_wait3A_59 = arith.constant 1 : i32
    %dma_wait3A_60 = arith.constant 128 : i32
    %dma_wait3A_61 = arith.constant 0 : i32
    %dma_wait3A_62 = tpu.memref_slice %arg6[%dma_wait3A_60, %dma_wait3A_61] : memref<640x64xf32, #tpu.memory_space<vmem>> -> memref<128x64xf32, #tpu.memory_space<vmem>>
    %dma_wait3A_63 = arith.constant 0 : i32
    %dma_wait3A_64 = tpu.memref_slice %arg5[%dma_wait3A_59, %dma_wait3A_63] : memref<5x128xi32, #tpu.memory_space<vmem>> -> memref<1x128xi32, #tpu.memory_space<vmem>>
    %dma_wait3A_65 = tpu.memref_squeeze %dma_wait3A_64 : memref<1x128xi32, #tpu.memory_space<vmem>> -> memref<128xi32, #tpu.memory_space<vmem>>
    %dma_wait3A_66 = arith.constant 0 : i32
    %dma_wait3A_67 = arith.constant 0 : i32
    %dma_wait3A_68 = tpu.memref_slice %arg2[%dma_wait3A_66, %dma_wait3A_67] : memref<64x64xf32, #tpu.memory_space<hbm>> -> memref<64x64xf32, #tpu.memory_space<hbm>>
    tpu.wait_indirect_dma semaphore(%arg7 : memref<!tpu.dma_semaphore, #tpu.memory_space<semaphore_mem>>) src(%dma_wait3A_68 : memref<64x64xf32, #tpu.memory_space<hbm>>) dst(%dma_wait3A_62 : memref<128x64xf32, #tpu.memory_space<vmem>>)
    %dma_wait3A_69 = arith.constant 2 : i32
    %dma_wait3A_70 = arith.constant 256 : i32
    %dma_wait3A_71 = arith.constant 0 : i32
    %dma_wait3A_72 = tpu.memref_slice %arg6[%dma_wait3A_70, %dma_wait3A_71] : memref<640x64xf32, #tpu.memory_space<vmem>> -> memref<128x64xf32, #tpu.memory_space<vmem>>
    %dma_wait3A_73 = arith.constant 0 : i32
    %dma_wait3A_74 = tpu.memref_slice %arg5[%dma_wait3A_69, %dma_wait3A_73] : memref<5x128xi32, #tpu.memory_space<vmem>> -> memref<1x128xi32, #tpu.memory_space<vmem>>
    %dma_wait3A_75 = tpu.memref_squeeze %dma_wait3A_74 : memref<1x128xi32, #tpu.memory_space<vmem>> -> memref<128xi32, #tpu.memory_space<vmem>>
    %dma_wait3A_76 = arith.constant 0 : i32
    %dma_wait3A_77 = arith.constant 0 : i32
    %dma_wait3A_78 = tpu.memref_slice %arg2[%dma_wait3A_76, %dma_wait3A_77] : memref<64x64xf32, #tpu.memory_space<hbm>> -> memref<64x64xf32, #tpu.memory_space<hbm>>
    tpu.wait_indirect_dma semaphore(%arg7 : memref<!tpu.dma_semaphore, #tpu.memory_space<semaphore_mem>>) src(%dma_wait3A_78 : memref<64x64xf32, #tpu.memory_space<hbm>>) dst(%dma_wait3A_72 : memref<128x64xf32, #tpu.memory_space<vmem>>)
    %dma_wait3A_79 = arith.constant 3 : i32
    %dma_wait3A_80 = arith.constant 384 : i32
    %dma_wait3A_81 = arith.constant 0 : i32
    %dma_wait3A_82 = tpu.memref_slice %arg6[%dma_wait3A_80, %dma_wait3A_81] : memref<640x64xf32, #tpu.memory_space<vmem>> -> memref<128x64xf32, #tpu.memory_space<vmem>>
    %dma_wait3A_83 = arith.constant 0 : i32
    %dma_wait3A_84 = tpu.memref_slice %arg5[%dma_wait3A_79, %dma_wait3A_83] : memref<5x128xi32, #tpu.memory_space<vmem>> -> memref<1x128xi32, #tpu.memory_space<vmem>>
    %dma_wait3A_85 = tpu.memref_squeeze %dma_wait3A_84 : memref<1x128xi32, #tpu.memory_space<vmem>> -> memref<128xi32, #tpu.memory_space<vmem>>
    %dma_wait3A_86 = arith.constant 0 : i32
    %dma_wait3A_87 = arith.constant 0 : i32
    %dma_wait3A_88 = tpu.memref_slice %arg2[%dma_wait3A_86, %dma_wait3A_87] : memref<64x64xf32, #tpu.memory_space<hbm>> -> memref<64x64xf32, #tpu.memory_space<hbm>>
    tpu.wait_indirect_dma semaphore(%arg7 : memref<!tpu.dma_semaphore, #tpu.memory_space<semaphore_mem>>) src(%dma_wait3A_88 : memref<64x64xf32, #tpu.memory_space<hbm>>) dst(%dma_wait3A_82 : memref<128x64xf32, #tpu.memory_space<vmem>>)
    %dma_wait3A_89 = arith.constant 4 : i32
    %dma_wait3A_90 = arith.constant 512 : i32
    %dma_wait3A_91 = arith.constant 0 : i32
    %dma_wait3A_92 = tpu.memref_slice %arg6[%dma_wait3A_90, %dma_wait3A_91] : memref<640x64xf32, #tpu.memory_space<vmem>> -> memref<128x64xf32, #tpu.memory_space<vmem>>
    %dma_wait3A_93 = arith.constant 0 : i32
    %dma_wait3A_94 = tpu.memref_slice %arg5[%dma_wait3A_89, %dma_wait3A_93] : memref<5x128xi32, #tpu.memory_space<vmem>> -> memref<1x128xi32, #tpu.memory_space<vmem>>
    %dma_wait3A_95 = tpu.memref_squeeze %dma_wait3A_94 : memref<1x128xi32, #tpu.memory_space<vmem>> -> memref<128xi32, #tpu.memory_space<vmem>>
    %dma_wait3A_96 = arith.constant 0 : i32
    %dma_wait3A_97 = arith.constant 0 : i32
    %dma_wait3A_98 = tpu.memref_slice %arg2[%dma_wait3A_96, %dma_wait3A_97] : memref<64x64xf32, #tpu.memory_space<hbm>> -> memref<64x64xf32, #tpu.memory_space<hbm>>
    tpu.wait_indirect_dma semaphore(%arg7 : memref<!tpu.dma_semaphore, #tpu.memory_space<semaphore_mem>>) src(%dma_wait3A_98 : memref<64x64xf32, #tpu.memory_space<hbm>>) dst(%dma_wait3A_92 : memref<128x64xf32, #tpu.memory_space<vmem>>)
    %mul3A_99 = arith.constant 640 : i32
    %mul3A_100 = arith.muli %add3A, %mul3A_99 : i32
    "tpu.region"() ({
      %run_scoped3A = tpu.sem_alloc : memref<!tpu.dma_semaphore, #tpu.memory_space<semaphore_mem>>
      %dma_start3A_101 = arith.constant 0 : i32
      %dma_start3A_102 = tpu.memref_slice %arg4[%mul3A_100, %dma_start3A_101] : memref<20480x64xf32, #tpu.memory_space<hbm>> -> memref<640x64xf32, #tpu.memory_space<hbm>>
      %dma_start3A_103 = arith.constant 0 : i32
      %dma_start3A_104 = tpu.memref_slice %arg4[%mul3A_100, %dma_start3A_103] : memref<20480x64xf32, #tpu.memory_space<hbm>> -> memref<640x64xf32, #tpu.memory_space<hbm>>
      tpu.enqueue_dma source(%arg6 : memref<640x64xf32, #tpu.memory_space<vmem>>) target(%dma_start3A_104 : memref<640x64xf32, #tpu.memory_space<hbm>>) target_semaphore(%run_scoped3A : memref<!tpu.dma_semaphore, #tpu.memory_space<semaphore_mem>>)
      %dma_wait3A_105 = arith.constant 0 : i32
      %dma_wait3A_106 = tpu.memref_slice %arg4[%mul3A_100, %dma_wait3A_105] : memref<20480x64xf32, #tpu.memory_space<hbm>> -> memref<640x64xf32, #tpu.memory_space<hbm>>
      %dma_wait3A_107 = arith.constant 0 : i32
      %dma_wait3A_108 = tpu.memref_slice %arg4[%mul3A_100, %dma_wait3A_107] : memref<20480x64xf32, #tpu.memory_space<hbm>> -> memref<640x64xf32, #tpu.memory_space<hbm>>
      tpu.wait_dma2 semaphore(%run_scoped3A : memref<!tpu.dma_semaphore, #tpu.memory_space<semaphore_mem>>) src(%arg6 : memref<640x64xf32, #tpu.memory_space<vmem>>) dst(%dma_wait3A_108 : memref<640x64xf32, #tpu.memory_space<hbm>>)
      tpu.yield
    }) : () -> ()
    return
  }
}

module attributes {stable_mosaic.version = 14 : i64} {
  func.func @_emb_body(%arg0: i32, %arg1: memref<512xi32, #tpu.memory_space<smem>>, %arg2: memref<512xi32, #tpu.memory_space<smem>>, %arg3: memref<64x128xf32, #tpu.memory_space<vmem>>, %arg4: memref<64x128xf32, #tpu.memory_space<vmem>>, %arg5: memref<64x128xf32, #tpu.memory_space<vmem>>, %arg6: memref<64x128xf32, #tpu.memory_space<vmem>>, %arg7: memref<64x128xf32, #tpu.memory_space<vmem>>, %arg8: memref<64x128xf32, #tpu.memory_space<vmem>>, %arg9: memref<64x128xf32, #tpu.memory_space<vmem>>, %arg10: memref<64x128xf32, #tpu.memory_space<vmem>>, %arg11: memref<64x128xf32, #tpu.memory_space<vmem>>, %arg12: memref<64x128xf32, #tpu.memory_space<vmem>>, %arg13: memref<64x128xf32, #tpu.memory_space<vmem>>, %arg14: memref<64x128xf32, #tpu.memory_space<vmem>>, %arg15: memref<64x128xf32, #tpu.memory_space<vmem>>, %arg16: memref<64x128xf32, #tpu.memory_space<vmem>>, %arg17: memref<64x128xf32, #tpu.memory_space<vmem>>, %arg18: memref<64x128xf32, #tpu.memory_space<vmem>>, %arg19: memref<64x128xf32, #tpu.memory_space<vmem>>, %arg20: memref<64x128xf32, #tpu.memory_space<vmem>>, %arg21: memref<64x128xf32, #tpu.memory_space<vmem>>, %arg22: memref<64x128xf32, #tpu.memory_space<vmem>>, %arg23: memref<64x128xf32, #tpu.memory_space<vmem>>, %arg24: memref<64x128xf32, #tpu.memory_space<vmem>>, %arg25: memref<64x128xf32, #tpu.memory_space<vmem>>, %arg26: memref<64x128xf32, #tpu.memory_space<vmem>>, %arg27: memref<64x128xf32, #tpu.memory_space<vmem>>, %arg28: memref<64x128xf32, #tpu.memory_space<vmem>>, %arg29: memref<64x128xf32, #tpu.memory_space<vmem>>, %arg30: memref<64x128xf32, #tpu.memory_space<vmem>>, %arg31: memref<64x128xf32, #tpu.memory_space<vmem>>, %arg32: memref<64x128xf32, #tpu.memory_space<vmem>>, %arg33: memref<64x128xf32, #tpu.memory_space<vmem>>, %arg34: memref<64x128xf32, #tpu.memory_space<vmem>>, %arg35: memref<64x128xf32, #tpu.memory_space<vmem>>, %arg36: memref<64x128xf32, #tpu.memory_space<vmem>>, %arg37: memref<64x128xf32, #tpu.memory_space<vmem>>, %arg38: memref<64x128xf32, #tpu.memory_space<vmem>>, %arg39: memref<64x128xf32, #tpu.memory_space<vmem>>, %arg40: memref<64x128xf32, #tpu.memory_space<vmem>>, %arg41: memref<64x128xf32, #tpu.memory_space<vmem>>, %arg42: memref<64x128xf32, #tpu.memory_space<vmem>>, %arg43: memref<64x128xf32, #tpu.memory_space<vmem>>, %arg44: memref<64x128xf32, #tpu.memory_space<vmem>>, %arg45: memref<64x128xf32, #tpu.memory_space<vmem>>, %arg46: memref<64x128xf32, #tpu.memory_space<vmem>>, %arg47: memref<64x128xf32, #tpu.memory_space<vmem>>, %arg48: memref<64x128xf32, #tpu.memory_space<vmem>>, %arg49: memref<64x128xf32, #tpu.memory_space<vmem>>, %arg50: memref<64x128xf32, #tpu.memory_space<vmem>>, %arg51: memref<64x64xf32, #tpu.memory_space<vmem>>, %arg52: memref<64x64xf32, #tpu.memory_space<vmem>>, %arg53: memref<64x64xf32, #tpu.memory_space<vmem>>) attributes {dimension_semantics = [#tpu.dimension_semantics<arbitrary>], iteration_bounds = array<i64: 8>, scalar_prefetch = 2 : i64, scratch_operands = 1 : i64, tpu.core_type = #tpu.core_type<tc>, window_params = [{transform_indices = @transform_0, window_bounds = array<i64: 64, 128>}, {transform_indices = @transform_1, window_bounds = array<i64: 64, 128>}, {transform_indices = @transform_2, window_bounds = array<i64: 64, 128>}, {transform_indices = @transform_3, window_bounds = array<i64: 64, 128>}, {transform_indices = @transform_4, window_bounds = array<i64: 64, 128>}, {transform_indices = @transform_5, window_bounds = array<i64: 64, 128>}, {transform_indices = @transform_6, window_bounds = array<i64: 64, 128>}, {transform_indices = @transform_7, window_bounds = array<i64: 64, 128>}, {transform_indices = @transform_8, window_bounds = array<i64: 64, 128>}, {transform_indices = @transform_9, window_bounds = array<i64: 64, 128>}, {transform_indices = @transform_10, window_bounds = array<i64: 64, 128>}, {transform_indices = @transform_11, window_bounds = array<i64: 64, 128>}, {transform_indices = @transform_12, window_bounds = array<i64: 64, 128>}, {transform_indices = @transform_13, window_bounds = array<i64: 64, 128>}, {transform_indices = @transform_14, window_bounds = array<i64: 64, 128>}, {transform_indices = @transform_15, window_bounds = array<i64: 64, 128>}, {transform_indices = @transform_16, window_bounds = array<i64: 64, 128>}, {transform_indices = @transform_17, window_bounds = array<i64: 64, 128>}, {transform_indices = @transform_18, window_bounds = array<i64: 64, 128>}, {transform_indices = @transform_19, window_bounds = array<i64: 64, 128>}, {transform_indices = @transform_20, window_bounds = array<i64: 64, 128>}, {transform_indices = @transform_21, window_bounds = array<i64: 64, 128>}, {transform_indices = @transform_22, window_bounds = array<i64: 64, 128>}, {transform_indices = @transform_23, window_bounds = array<i64: 64, 128>}, {transform_indices = @transform_24, window_bounds = array<i64: 64, 128>}, {transform_indices = @transform_25, window_bounds = array<i64: 64, 128>}, {transform_indices = @transform_26, window_bounds = array<i64: 64, 128>}, {transform_indices = @transform_27, window_bounds = array<i64: 64, 128>}, {transform_indices = @transform_28, window_bounds = array<i64: 64, 128>}, {transform_indices = @transform_29, window_bounds = array<i64: 64, 128>}, {transform_indices = @transform_30, window_bounds = array<i64: 64, 128>}, {transform_indices = @transform_31, window_bounds = array<i64: 64, 128>}, {transform_indices = @transform_32, window_bounds = array<i64: 64, 128>}, {transform_indices = @transform_33, window_bounds = array<i64: 64, 128>}, {transform_indices = @transform_34, window_bounds = array<i64: 64, 128>}, {transform_indices = @transform_35, window_bounds = array<i64: 64, 128>}, {transform_indices = @transform_36, window_bounds = array<i64: 64, 128>}, {transform_indices = @transform_37, window_bounds = array<i64: 64, 128>}, {transform_indices = @transform_38, window_bounds = array<i64: 64, 128>}, {transform_indices = @transform_39, window_bounds = array<i64: 64, 128>}, {transform_indices = @transform_40, window_bounds = array<i64: 64, 128>}, {transform_indices = @transform_41, window_bounds = array<i64: 64, 128>}, {transform_indices = @transform_42, window_bounds = array<i64: 64, 128>}, {transform_indices = @transform_43, window_bounds = array<i64: 64, 128>}, {transform_indices = @transform_44, window_bounds = array<i64: 64, 128>}, {transform_indices = @transform_45, window_bounds = array<i64: 64, 128>}, {transform_indices = @transform_46, window_bounds = array<i64: 64, 128>}, {transform_indices = @transform_47, window_bounds = array<i64: 64, 128>}, {pipeline_mode = #tpu.pipeline_mode<synchronous>, transform_indices = @transform_48, window_bounds = array<i64: 64, 64>}, {pipeline_mode = #tpu.pipeline_mode<synchronous>, transform_indices = @transform_49, window_bounds = array<i64: 64, 64>}]} {
    %iota3A = tpu.iota {dimensions = array<i32: 1>} : vector<1x128xi32>
    %broadcast_in_dim3A = arith.constant 0.000000e+00 : f32
    %broadcast_in_dim3A_0 = vector.broadcast %broadcast_in_dim3A : f32 to vector<64x64xf32>
    %mul3A = arith.constant 8 : i32
    %mul3A_1 = arith.muli %arg0, %mul3A : i32
    %add3A = arith.constant 0 : i32
    %add3A_2 = arith.addi %mul3A_1, %add3A : i32
    %broadcast_in_dim3A_3 = arith.constant 0.000000e+00 : f32
    %broadcast_in_dim3A_4 = vector.broadcast %broadcast_in_dim3A_3 : f32 to vector<1x64xf32>
    %mul3A_5 = arith.constant 8 : i32
    %mul3A_6 = arith.muli %add3A_2, %mul3A_5 : i32
    %add3A_7 = arith.constant 0 : i32
    %add3A_8 = arith.addi %mul3A_6, %add3A_7 : i32
    %get3A = arith.index_cast %add3A_8 : i32 to index
    %get3A_9 = memref.load %arg2[%get3A] : memref<512xi32, #tpu.memory_space<smem>>
    %eq3A = vector.broadcast %get3A_9 : i32 to vector<1x128xi32>
    %eq3A_10 = arith.cmpi eq, %iota3A, %eq3A : vector<1x128xi32>
    %convert_element_type3A = arith.extui %eq3A_10 : vector<1x128xi1> to vector<1x128xi32>
    %convert_element_type3A_11 = arith.sitofp %convert_element_type3A : vector<1x128xi32> to vector<1x128xf32>
    %get3A_12 = arith.constant 0 : index
    %get3A_13 = arith.constant 0 : index
    %get3A_14 = vector.load %arg3[%get3A_12, %get3A_13] : memref<64x128xf32, #tpu.memory_space<vmem>>, vector<64x128xf32>
    %dot_general3A = arith.constant dense<0.000000e+00> : vector<1x64xf32>
    %dot_general3A_15 = tpu.matmul %convert_element_type3A_11, %get3A_14, %dot_general3A {dimension_numbers = #tpu.dot_dimension_numbers<[1], [1], [0], [0], [0, 0, 1, 0], [], []>, transpose_lhs_hint = false} : vector<1x128xf32>, vector<64x128xf32>, vector<1x64xf32> -> vector<1x64xf32>
    %add3A_16 = arith.addf %broadcast_in_dim3A_4, %dot_general3A_15 : vector<1x64xf32>
    %mul3A_17 = arith.constant 8 : i32
    %mul3A_18 = arith.muli %add3A_2, %mul3A_17 : i32
    %add3A_19 = arith.constant 1 : i32
    %add3A_20 = arith.addi %mul3A_18, %add3A_19 : i32
    %get3A_21 = arith.index_cast %add3A_20 : i32 to index
    %get3A_22 = memref.load %arg2[%get3A_21] : memref<512xi32, #tpu.memory_space<smem>>
    %eq3A_23 = vector.broadcast %get3A_22 : i32 to vector<1x128xi32>
    %eq3A_24 = arith.cmpi eq, %iota3A, %eq3A_23 : vector<1x128xi32>
    %convert_element_type3A_25 = arith.extui %eq3A_24 : vector<1x128xi1> to vector<1x128xi32>
    %convert_element_type3A_26 = arith.sitofp %convert_element_type3A_25 : vector<1x128xi32> to vector<1x128xf32>
    %get3A_27 = arith.constant 0 : index
    %get3A_28 = arith.constant 0 : index
    %get3A_29 = vector.load %arg4[%get3A_27, %get3A_28] : memref<64x128xf32, #tpu.memory_space<vmem>>, vector<64x128xf32>
    %dot_general3A_30 = arith.constant dense<0.000000e+00> : vector<1x64xf32>
    %dot_general3A_31 = tpu.matmul %convert_element_type3A_26, %get3A_29, %dot_general3A_30 {dimension_numbers = #tpu.dot_dimension_numbers<[1], [1], [0], [0], [0, 0, 1, 0], [], []>, transpose_lhs_hint = false} : vector<1x128xf32>, vector<64x128xf32>, vector<1x64xf32> -> vector<1x64xf32>
    %add3A_32 = arith.addf %add3A_16, %dot_general3A_31 : vector<1x64xf32>
    %mul3A_33 = arith.constant 8 : i32
    %mul3A_34 = arith.muli %add3A_2, %mul3A_33 : i32
    %add3A_35 = arith.constant 2 : i32
    %add3A_36 = arith.addi %mul3A_34, %add3A_35 : i32
    %get3A_37 = arith.index_cast %add3A_36 : i32 to index
    %get3A_38 = memref.load %arg2[%get3A_37] : memref<512xi32, #tpu.memory_space<smem>>
    %eq3A_39 = vector.broadcast %get3A_38 : i32 to vector<1x128xi32>
    %eq3A_40 = arith.cmpi eq, %iota3A, %eq3A_39 : vector<1x128xi32>
    %convert_element_type3A_41 = arith.extui %eq3A_40 : vector<1x128xi1> to vector<1x128xi32>
    %convert_element_type3A_42 = arith.sitofp %convert_element_type3A_41 : vector<1x128xi32> to vector<1x128xf32>
    %get3A_43 = arith.constant 0 : index
    %get3A_44 = arith.constant 0 : index
    %get3A_45 = vector.load %arg5[%get3A_43, %get3A_44] : memref<64x128xf32, #tpu.memory_space<vmem>>, vector<64x128xf32>
    %dot_general3A_46 = arith.constant dense<0.000000e+00> : vector<1x64xf32>
    %dot_general3A_47 = tpu.matmul %convert_element_type3A_42, %get3A_45, %dot_general3A_46 {dimension_numbers = #tpu.dot_dimension_numbers<[1], [1], [0], [0], [0, 0, 1, 0], [], []>, transpose_lhs_hint = false} : vector<1x128xf32>, vector<64x128xf32>, vector<1x64xf32> -> vector<1x64xf32>
    %add3A_48 = arith.addf %add3A_32, %dot_general3A_47 : vector<1x64xf32>
    %mul3A_49 = arith.constant 8 : i32
    %mul3A_50 = arith.muli %add3A_2, %mul3A_49 : i32
    %add3A_51 = arith.constant 3 : i32
    %add3A_52 = arith.addi %mul3A_50, %add3A_51 : i32
    %get3A_53 = arith.index_cast %add3A_52 : i32 to index
    %get3A_54 = memref.load %arg2[%get3A_53] : memref<512xi32, #tpu.memory_space<smem>>
    %eq3A_55 = vector.broadcast %get3A_54 : i32 to vector<1x128xi32>
    %eq3A_56 = arith.cmpi eq, %iota3A, %eq3A_55 : vector<1x128xi32>
    %convert_element_type3A_57 = arith.extui %eq3A_56 : vector<1x128xi1> to vector<1x128xi32>
    %convert_element_type3A_58 = arith.sitofp %convert_element_type3A_57 : vector<1x128xi32> to vector<1x128xf32>
    %get3A_59 = arith.constant 0 : index
    %get3A_60 = arith.constant 0 : index
    %get3A_61 = vector.load %arg6[%get3A_59, %get3A_60] : memref<64x128xf32, #tpu.memory_space<vmem>>, vector<64x128xf32>
    %dot_general3A_62 = arith.constant dense<0.000000e+00> : vector<1x64xf32>
    %dot_general3A_63 = tpu.matmul %convert_element_type3A_58, %get3A_61, %dot_general3A_62 {dimension_numbers = #tpu.dot_dimension_numbers<[1], [1], [0], [0], [0, 0, 1, 0], [], []>, transpose_lhs_hint = false} : vector<1x128xf32>, vector<64x128xf32>, vector<1x64xf32> -> vector<1x64xf32>
    %add3A_64 = arith.addf %add3A_48, %dot_general3A_63 : vector<1x64xf32>
    %mul3A_65 = arith.constant 8 : i32
    %mul3A_66 = arith.muli %add3A_2, %mul3A_65 : i32
    %add3A_67 = arith.constant 4 : i32
    %add3A_68 = arith.addi %mul3A_66, %add3A_67 : i32
    %get3A_69 = arith.index_cast %add3A_68 : i32 to index
    %get3A_70 = memref.load %arg2[%get3A_69] : memref<512xi32, #tpu.memory_space<smem>>
    %eq3A_71 = vector.broadcast %get3A_70 : i32 to vector<1x128xi32>
    %eq3A_72 = arith.cmpi eq, %iota3A, %eq3A_71 : vector<1x128xi32>
    %convert_element_type3A_73 = arith.extui %eq3A_72 : vector<1x128xi1> to vector<1x128xi32>
    %convert_element_type3A_74 = arith.sitofp %convert_element_type3A_73 : vector<1x128xi32> to vector<1x128xf32>
    %get3A_75 = arith.constant 0 : index
    %get3A_76 = arith.constant 0 : index
    %get3A_77 = vector.load %arg7[%get3A_75, %get3A_76] : memref<64x128xf32, #tpu.memory_space<vmem>>, vector<64x128xf32>
    %dot_general3A_78 = arith.constant dense<0.000000e+00> : vector<1x64xf32>
    %dot_general3A_79 = tpu.matmul %convert_element_type3A_74, %get3A_77, %dot_general3A_78 {dimension_numbers = #tpu.dot_dimension_numbers<[1], [1], [0], [0], [0, 0, 1, 0], [], []>, transpose_lhs_hint = false} : vector<1x128xf32>, vector<64x128xf32>, vector<1x64xf32> -> vector<1x64xf32>
    %add3A_80 = arith.addf %add3A_64, %dot_general3A_79 : vector<1x64xf32>
    %mul3A_81 = arith.constant 8 : i32
    %mul3A_82 = arith.muli %add3A_2, %mul3A_81 : i32
    %add3A_83 = arith.constant 5 : i32
    %add3A_84 = arith.addi %mul3A_82, %add3A_83 : i32
    %get3A_85 = arith.index_cast %add3A_84 : i32 to index
    %get3A_86 = memref.load %arg2[%get3A_85] : memref<512xi32, #tpu.memory_space<smem>>
    %eq3A_87 = vector.broadcast %get3A_86 : i32 to vector<1x128xi32>
    %eq3A_88 = arith.cmpi eq, %iota3A, %eq3A_87 : vector<1x128xi32>
    %convert_element_type3A_89 = arith.extui %eq3A_88 : vector<1x128xi1> to vector<1x128xi32>
    %convert_element_type3A_90 = arith.sitofp %convert_element_type3A_89 : vector<1x128xi32> to vector<1x128xf32>
    %get3A_91 = arith.constant 0 : index
    %get3A_92 = arith.constant 0 : index
    %get3A_93 = vector.load %arg8[%get3A_91, %get3A_92] : memref<64x128xf32, #tpu.memory_space<vmem>>, vector<64x128xf32>
    %dot_general3A_94 = arith.constant dense<0.000000e+00> : vector<1x64xf32>
    %dot_general3A_95 = tpu.matmul %convert_element_type3A_90, %get3A_93, %dot_general3A_94 {dimension_numbers = #tpu.dot_dimension_numbers<[1], [1], [0], [0], [0, 0, 1, 0], [], []>, transpose_lhs_hint = false} : vector<1x128xf32>, vector<64x128xf32>, vector<1x64xf32> -> vector<1x64xf32>
    %add3A_96 = arith.addf %add3A_80, %dot_general3A_95 : vector<1x64xf32>
    %iota3A_97 = tpu.iota {dimensions = array<i32: 0>} : vector<64x64xi32>
    %eq3A_98 = vector.broadcast %add3A_2 : i32 to vector<64x64xi32>
    %eq3A_99 = arith.cmpi eq, %iota3A_97, %eq3A_98 : vector<64x64xi32>
    %broadcast_in_dim3A_100 = vector.shape_cast %add3A_96 : vector<1x64xf32> to vector<1x64xf32>
    %broadcast_in_dim3A_101 = vector.broadcast %broadcast_in_dim3A_100 : vector<1x64xf32> to vector<64x64xf32>
    %jit3A = arith.constant 0.000000e+00 : f32
    %broadcast_in_dim3A_102 = vector.broadcast %jit3A : f32 to vector<64x64xf32>
    %select_n3A = arith.select %eq3A_99, %broadcast_in_dim3A_101, %broadcast_in_dim3A_102 : vector<64x64xi1>, vector<64x64xf32>
    %add3A_103 = arith.addf %broadcast_in_dim3A_0, %select_n3A : vector<64x64xf32>
    %mul3A_104 = arith.constant 8 : i32
    %mul3A_105 = arith.muli %arg0, %mul3A_104 : i32
    %add3A_106 = arith.constant 1 : i32
    %add3A_107 = arith.addi %mul3A_105, %add3A_106 : i32
    %broadcast_in_dim3A_108 = arith.constant 0.000000e+00 : f32
    %broadcast_in_dim3A_109 = vector.broadcast %broadcast_in_dim3A_108 : f32 to vector<1x64xf32>
    %mul3A_110 = arith.constant 8 : i32
    %mul3A_111 = arith.muli %add3A_107, %mul3A_110 : i32
    %add3A_112 = arith.constant 0 : i32
    %add3A_113 = arith.addi %mul3A_111, %add3A_112 : i32
    %get3A_114 = arith.index_cast %add3A_113 : i32 to index
    %get3A_115 = memref.load %arg2[%get3A_114] : memref<512xi32, #tpu.memory_space<smem>>
    %eq3A_116 = vector.broadcast %get3A_115 : i32 to vector<1x128xi32>
    %eq3A_117 = arith.cmpi eq, %iota3A, %eq3A_116 : vector<1x128xi32>
    %convert_element_type3A_118 = arith.extui %eq3A_117 : vector<1x128xi1> to vector<1x128xi32>
    %convert_element_type3A_119 = arith.sitofp %convert_element_type3A_118 : vector<1x128xi32> to vector<1x128xf32>
    %get3A_120 = arith.constant 0 : index
    %get3A_121 = arith.constant 0 : index
    %get3A_122 = vector.load %arg9[%get3A_120, %get3A_121] : memref<64x128xf32, #tpu.memory_space<vmem>>, vector<64x128xf32>
    %dot_general3A_123 = arith.constant dense<0.000000e+00> : vector<1x64xf32>
    %dot_general3A_124 = tpu.matmul %convert_element_type3A_119, %get3A_122, %dot_general3A_123 {dimension_numbers = #tpu.dot_dimension_numbers<[1], [1], [0], [0], [0, 0, 1, 0], [], []>, transpose_lhs_hint = false} : vector<1x128xf32>, vector<64x128xf32>, vector<1x64xf32> -> vector<1x64xf32>
    %add3A_125 = arith.addf %broadcast_in_dim3A_109, %dot_general3A_124 : vector<1x64xf32>
    %mul3A_126 = arith.constant 8 : i32
    %mul3A_127 = arith.muli %add3A_107, %mul3A_126 : i32
    %add3A_128 = arith.constant 1 : i32
    %add3A_129 = arith.addi %mul3A_127, %add3A_128 : i32
    %get3A_130 = arith.index_cast %add3A_129 : i32 to index
    %get3A_131 = memref.load %arg2[%get3A_130] : memref<512xi32, #tpu.memory_space<smem>>
    %eq3A_132 = vector.broadcast %get3A_131 : i32 to vector<1x128xi32>
    %eq3A_133 = arith.cmpi eq, %iota3A, %eq3A_132 : vector<1x128xi32>
    %convert_element_type3A_134 = arith.extui %eq3A_133 : vector<1x128xi1> to vector<1x128xi32>
    %convert_element_type3A_135 = arith.sitofp %convert_element_type3A_134 : vector<1x128xi32> to vector<1x128xf32>
    %get3A_136 = arith.constant 0 : index
    %get3A_137 = arith.constant 0 : index
    %get3A_138 = vector.load %arg10[%get3A_136, %get3A_137] : memref<64x128xf32, #tpu.memory_space<vmem>>, vector<64x128xf32>
    %dot_general3A_139 = arith.constant dense<0.000000e+00> : vector<1x64xf32>
    %dot_general3A_140 = tpu.matmul %convert_element_type3A_135, %get3A_138, %dot_general3A_139 {dimension_numbers = #tpu.dot_dimension_numbers<[1], [1], [0], [0], [0, 0, 1, 0], [], []>, transpose_lhs_hint = false} : vector<1x128xf32>, vector<64x128xf32>, vector<1x64xf32> -> vector<1x64xf32>
    %add3A_141 = arith.addf %add3A_125, %dot_general3A_140 : vector<1x64xf32>
    %mul3A_142 = arith.constant 8 : i32
    %mul3A_143 = arith.muli %add3A_107, %mul3A_142 : i32
    %add3A_144 = arith.constant 2 : i32
    %add3A_145 = arith.addi %mul3A_143, %add3A_144 : i32
    %get3A_146 = arith.index_cast %add3A_145 : i32 to index
    %get3A_147 = memref.load %arg2[%get3A_146] : memref<512xi32, #tpu.memory_space<smem>>
    %eq3A_148 = vector.broadcast %get3A_147 : i32 to vector<1x128xi32>
    %eq3A_149 = arith.cmpi eq, %iota3A, %eq3A_148 : vector<1x128xi32>
    %convert_element_type3A_150 = arith.extui %eq3A_149 : vector<1x128xi1> to vector<1x128xi32>
    %convert_element_type3A_151 = arith.sitofp %convert_element_type3A_150 : vector<1x128xi32> to vector<1x128xf32>
    %get3A_152 = arith.constant 0 : index
    %get3A_153 = arith.constant 0 : index
    %get3A_154 = vector.load %arg11[%get3A_152, %get3A_153] : memref<64x128xf32, #tpu.memory_space<vmem>>, vector<64x128xf32>
    %dot_general3A_155 = arith.constant dense<0.000000e+00> : vector<1x64xf32>
    %dot_general3A_156 = tpu.matmul %convert_element_type3A_151, %get3A_154, %dot_general3A_155 {dimension_numbers = #tpu.dot_dimension_numbers<[1], [1], [0], [0], [0, 0, 1, 0], [], []>, transpose_lhs_hint = false} : vector<1x128xf32>, vector<64x128xf32>, vector<1x64xf32> -> vector<1x64xf32>
    %add3A_157 = arith.addf %add3A_141, %dot_general3A_156 : vector<1x64xf32>
    %mul3A_158 = arith.constant 8 : i32
    %mul3A_159 = arith.muli %add3A_107, %mul3A_158 : i32
    %add3A_160 = arith.constant 3 : i32
    %add3A_161 = arith.addi %mul3A_159, %add3A_160 : i32
    %get3A_162 = arith.index_cast %add3A_161 : i32 to index
    %get3A_163 = memref.load %arg2[%get3A_162] : memref<512xi32, #tpu.memory_space<smem>>
    %eq3A_164 = vector.broadcast %get3A_163 : i32 to vector<1x128xi32>
    %eq3A_165 = arith.cmpi eq, %iota3A, %eq3A_164 : vector<1x128xi32>
    %convert_element_type3A_166 = arith.extui %eq3A_165 : vector<1x128xi1> to vector<1x128xi32>
    %convert_element_type3A_167 = arith.sitofp %convert_element_type3A_166 : vector<1x128xi32> to vector<1x128xf32>
    %get3A_168 = arith.constant 0 : index
    %get3A_169 = arith.constant 0 : index
    %get3A_170 = vector.load %arg12[%get3A_168, %get3A_169] : memref<64x128xf32, #tpu.memory_space<vmem>>, vector<64x128xf32>
    %dot_general3A_171 = arith.constant dense<0.000000e+00> : vector<1x64xf32>
    %dot_general3A_172 = tpu.matmul %convert_element_type3A_167, %get3A_170, %dot_general3A_171 {dimension_numbers = #tpu.dot_dimension_numbers<[1], [1], [0], [0], [0, 0, 1, 0], [], []>, transpose_lhs_hint = false} : vector<1x128xf32>, vector<64x128xf32>, vector<1x64xf32> -> vector<1x64xf32>
    %add3A_173 = arith.addf %add3A_157, %dot_general3A_172 : vector<1x64xf32>
    %mul3A_174 = arith.constant 8 : i32
    %mul3A_175 = arith.muli %add3A_107, %mul3A_174 : i32
    %add3A_176 = arith.constant 4 : i32
    %add3A_177 = arith.addi %mul3A_175, %add3A_176 : i32
    %get3A_178 = arith.index_cast %add3A_177 : i32 to index
    %get3A_179 = memref.load %arg2[%get3A_178] : memref<512xi32, #tpu.memory_space<smem>>
    %eq3A_180 = vector.broadcast %get3A_179 : i32 to vector<1x128xi32>
    %eq3A_181 = arith.cmpi eq, %iota3A, %eq3A_180 : vector<1x128xi32>
    %convert_element_type3A_182 = arith.extui %eq3A_181 : vector<1x128xi1> to vector<1x128xi32>
    %convert_element_type3A_183 = arith.sitofp %convert_element_type3A_182 : vector<1x128xi32> to vector<1x128xf32>
    %get3A_184 = arith.constant 0 : index
    %get3A_185 = arith.constant 0 : index
    %get3A_186 = vector.load %arg13[%get3A_184, %get3A_185] : memref<64x128xf32, #tpu.memory_space<vmem>>, vector<64x128xf32>
    %dot_general3A_187 = arith.constant dense<0.000000e+00> : vector<1x64xf32>
    %dot_general3A_188 = tpu.matmul %convert_element_type3A_183, %get3A_186, %dot_general3A_187 {dimension_numbers = #tpu.dot_dimension_numbers<[1], [1], [0], [0], [0, 0, 1, 0], [], []>, transpose_lhs_hint = false} : vector<1x128xf32>, vector<64x128xf32>, vector<1x64xf32> -> vector<1x64xf32>
    %add3A_189 = arith.addf %add3A_173, %dot_general3A_188 : vector<1x64xf32>
    %mul3A_190 = arith.constant 8 : i32
    %mul3A_191 = arith.muli %add3A_107, %mul3A_190 : i32
    %add3A_192 = arith.constant 5 : i32
    %add3A_193 = arith.addi %mul3A_191, %add3A_192 : i32
    %get3A_194 = arith.index_cast %add3A_193 : i32 to index
    %get3A_195 = memref.load %arg2[%get3A_194] : memref<512xi32, #tpu.memory_space<smem>>
    %eq3A_196 = vector.broadcast %get3A_195 : i32 to vector<1x128xi32>
    %eq3A_197 = arith.cmpi eq, %iota3A, %eq3A_196 : vector<1x128xi32>
    %convert_element_type3A_198 = arith.extui %eq3A_197 : vector<1x128xi1> to vector<1x128xi32>
    %convert_element_type3A_199 = arith.sitofp %convert_element_type3A_198 : vector<1x128xi32> to vector<1x128xf32>
    %get3A_200 = arith.constant 0 : index
    %get3A_201 = arith.constant 0 : index
    %get3A_202 = vector.load %arg14[%get3A_200, %get3A_201] : memref<64x128xf32, #tpu.memory_space<vmem>>, vector<64x128xf32>
    %dot_general3A_203 = arith.constant dense<0.000000e+00> : vector<1x64xf32>
    %dot_general3A_204 = tpu.matmul %convert_element_type3A_199, %get3A_202, %dot_general3A_203 {dimension_numbers = #tpu.dot_dimension_numbers<[1], [1], [0], [0], [0, 0, 1, 0], [], []>, transpose_lhs_hint = false} : vector<1x128xf32>, vector<64x128xf32>, vector<1x64xf32> -> vector<1x64xf32>
    %add3A_205 = arith.addf %add3A_189, %dot_general3A_204 : vector<1x64xf32>
    %iota3A_206 = tpu.iota {dimensions = array<i32: 0>} : vector<64x64xi32>
    %eq3A_207 = vector.broadcast %add3A_107 : i32 to vector<64x64xi32>
    %eq3A_208 = arith.cmpi eq, %iota3A_206, %eq3A_207 : vector<64x64xi32>
    %broadcast_in_dim3A_209 = vector.shape_cast %add3A_205 : vector<1x64xf32> to vector<1x64xf32>
    %broadcast_in_dim3A_210 = vector.broadcast %broadcast_in_dim3A_209 : vector<1x64xf32> to vector<64x64xf32>
    %jit3A_211 = arith.constant 0.000000e+00 : f32
    %broadcast_in_dim3A_212 = vector.broadcast %jit3A_211 : f32 to vector<64x64xf32>
    %select_n3A_213 = arith.select %eq3A_208, %broadcast_in_dim3A_210, %broadcast_in_dim3A_212 : vector<64x64xi1>, vector<64x64xf32>
    %add3A_214 = arith.addf %add3A_103, %select_n3A_213 : vector<64x64xf32>
    %mul3A_215 = arith.constant 8 : i32
    %mul3A_216 = arith.muli %arg0, %mul3A_215 : i32
    %add3A_217 = arith.constant 2 : i32
    %add3A_218 = arith.addi %mul3A_216, %add3A_217 : i32
    %broadcast_in_dim3A_219 = arith.constant 0.000000e+00 : f32
    %broadcast_in_dim3A_220 = vector.broadcast %broadcast_in_dim3A_219 : f32 to vector<1x64xf32>
    %mul3A_221 = arith.constant 8 : i32
    %mul3A_222 = arith.muli %add3A_218, %mul3A_221 : i32
    %add3A_223 = arith.constant 0 : i32
    %add3A_224 = arith.addi %mul3A_222, %add3A_223 : i32
    %get3A_225 = arith.index_cast %add3A_224 : i32 to index
    %get3A_226 = memref.load %arg2[%get3A_225] : memref<512xi32, #tpu.memory_space<smem>>
    %eq3A_227 = vector.broadcast %get3A_226 : i32 to vector<1x128xi32>
    %eq3A_228 = arith.cmpi eq, %iota3A, %eq3A_227 : vector<1x128xi32>
    %convert_element_type3A_229 = arith.extui %eq3A_228 : vector<1x128xi1> to vector<1x128xi32>
    %convert_element_type3A_230 = arith.sitofp %convert_element_type3A_229 : vector<1x128xi32> to vector<1x128xf32>
    %get3A_231 = arith.constant 0 : index
    %get3A_232 = arith.constant 0 : index
    %get3A_233 = vector.load %arg15[%get3A_231, %get3A_232] : memref<64x128xf32, #tpu.memory_space<vmem>>, vector<64x128xf32>
    %dot_general3A_234 = arith.constant dense<0.000000e+00> : vector<1x64xf32>
    %dot_general3A_235 = tpu.matmul %convert_element_type3A_230, %get3A_233, %dot_general3A_234 {dimension_numbers = #tpu.dot_dimension_numbers<[1], [1], [0], [0], [0, 0, 1, 0], [], []>, transpose_lhs_hint = false} : vector<1x128xf32>, vector<64x128xf32>, vector<1x64xf32> -> vector<1x64xf32>
    %add3A_236 = arith.addf %broadcast_in_dim3A_220, %dot_general3A_235 : vector<1x64xf32>
    %mul3A_237 = arith.constant 8 : i32
    %mul3A_238 = arith.muli %add3A_218, %mul3A_237 : i32
    %add3A_239 = arith.constant 1 : i32
    %add3A_240 = arith.addi %mul3A_238, %add3A_239 : i32
    %get3A_241 = arith.index_cast %add3A_240 : i32 to index
    %get3A_242 = memref.load %arg2[%get3A_241] : memref<512xi32, #tpu.memory_space<smem>>
    %eq3A_243 = vector.broadcast %get3A_242 : i32 to vector<1x128xi32>
    %eq3A_244 = arith.cmpi eq, %iota3A, %eq3A_243 : vector<1x128xi32>
    %convert_element_type3A_245 = arith.extui %eq3A_244 : vector<1x128xi1> to vector<1x128xi32>
    %convert_element_type3A_246 = arith.sitofp %convert_element_type3A_245 : vector<1x128xi32> to vector<1x128xf32>
    %get3A_247 = arith.constant 0 : index
    %get3A_248 = arith.constant 0 : index
    %get3A_249 = vector.load %arg16[%get3A_247, %get3A_248] : memref<64x128xf32, #tpu.memory_space<vmem>>, vector<64x128xf32>
    %dot_general3A_250 = arith.constant dense<0.000000e+00> : vector<1x64xf32>
    %dot_general3A_251 = tpu.matmul %convert_element_type3A_246, %get3A_249, %dot_general3A_250 {dimension_numbers = #tpu.dot_dimension_numbers<[1], [1], [0], [0], [0, 0, 1, 0], [], []>, transpose_lhs_hint = false} : vector<1x128xf32>, vector<64x128xf32>, vector<1x64xf32> -> vector<1x64xf32>
    %add3A_252 = arith.addf %add3A_236, %dot_general3A_251 : vector<1x64xf32>
    %mul3A_253 = arith.constant 8 : i32
    %mul3A_254 = arith.muli %add3A_218, %mul3A_253 : i32
    %add3A_255 = arith.constant 2 : i32
    %add3A_256 = arith.addi %mul3A_254, %add3A_255 : i32
    %get3A_257 = arith.index_cast %add3A_256 : i32 to index
    %get3A_258 = memref.load %arg2[%get3A_257] : memref<512xi32, #tpu.memory_space<smem>>
    %eq3A_259 = vector.broadcast %get3A_258 : i32 to vector<1x128xi32>
    %eq3A_260 = arith.cmpi eq, %iota3A, %eq3A_259 : vector<1x128xi32>
    %convert_element_type3A_261 = arith.extui %eq3A_260 : vector<1x128xi1> to vector<1x128xi32>
    %convert_element_type3A_262 = arith.sitofp %convert_element_type3A_261 : vector<1x128xi32> to vector<1x128xf32>
    %get3A_263 = arith.constant 0 : index
    %get3A_264 = arith.constant 0 : index
    %get3A_265 = vector.load %arg17[%get3A_263, %get3A_264] : memref<64x128xf32, #tpu.memory_space<vmem>>, vector<64x128xf32>
    %dot_general3A_266 = arith.constant dense<0.000000e+00> : vector<1x64xf32>
    %dot_general3A_267 = tpu.matmul %convert_element_type3A_262, %get3A_265, %dot_general3A_266 {dimension_numbers = #tpu.dot_dimension_numbers<[1], [1], [0], [0], [0, 0, 1, 0], [], []>, transpose_lhs_hint = false} : vector<1x128xf32>, vector<64x128xf32>, vector<1x64xf32> -> vector<1x64xf32>
    %add3A_268 = arith.addf %add3A_252, %dot_general3A_267 : vector<1x64xf32>
    %mul3A_269 = arith.constant 8 : i32
    %mul3A_270 = arith.muli %add3A_218, %mul3A_269 : i32
    %add3A_271 = arith.constant 3 : i32
    %add3A_272 = arith.addi %mul3A_270, %add3A_271 : i32
    %get3A_273 = arith.index_cast %add3A_272 : i32 to index
    %get3A_274 = memref.load %arg2[%get3A_273] : memref<512xi32, #tpu.memory_space<smem>>
    %eq3A_275 = vector.broadcast %get3A_274 : i32 to vector<1x128xi32>
    %eq3A_276 = arith.cmpi eq, %iota3A, %eq3A_275 : vector<1x128xi32>
    %convert_element_type3A_277 = arith.extui %eq3A_276 : vector<1x128xi1> to vector<1x128xi32>
    %convert_element_type3A_278 = arith.sitofp %convert_element_type3A_277 : vector<1x128xi32> to vector<1x128xf32>
    %get3A_279 = arith.constant 0 : index
    %get3A_280 = arith.constant 0 : index
    %get3A_281 = vector.load %arg18[%get3A_279, %get3A_280] : memref<64x128xf32, #tpu.memory_space<vmem>>, vector<64x128xf32>
    %dot_general3A_282 = arith.constant dense<0.000000e+00> : vector<1x64xf32>
    %dot_general3A_283 = tpu.matmul %convert_element_type3A_278, %get3A_281, %dot_general3A_282 {dimension_numbers = #tpu.dot_dimension_numbers<[1], [1], [0], [0], [0, 0, 1, 0], [], []>, transpose_lhs_hint = false} : vector<1x128xf32>, vector<64x128xf32>, vector<1x64xf32> -> vector<1x64xf32>
    %add3A_284 = arith.addf %add3A_268, %dot_general3A_283 : vector<1x64xf32>
    %mul3A_285 = arith.constant 8 : i32
    %mul3A_286 = arith.muli %add3A_218, %mul3A_285 : i32
    %add3A_287 = arith.constant 4 : i32
    %add3A_288 = arith.addi %mul3A_286, %add3A_287 : i32
    %get3A_289 = arith.index_cast %add3A_288 : i32 to index
    %get3A_290 = memref.load %arg2[%get3A_289] : memref<512xi32, #tpu.memory_space<smem>>
    %eq3A_291 = vector.broadcast %get3A_290 : i32 to vector<1x128xi32>
    %eq3A_292 = arith.cmpi eq, %iota3A, %eq3A_291 : vector<1x128xi32>
    %convert_element_type3A_293 = arith.extui %eq3A_292 : vector<1x128xi1> to vector<1x128xi32>
    %convert_element_type3A_294 = arith.sitofp %convert_element_type3A_293 : vector<1x128xi32> to vector<1x128xf32>
    %get3A_295 = arith.constant 0 : index
    %get3A_296 = arith.constant 0 : index
    %get3A_297 = vector.load %arg19[%get3A_295, %get3A_296] : memref<64x128xf32, #tpu.memory_space<vmem>>, vector<64x128xf32>
    %dot_general3A_298 = arith.constant dense<0.000000e+00> : vector<1x64xf32>
    %dot_general3A_299 = tpu.matmul %convert_element_type3A_294, %get3A_297, %dot_general3A_298 {dimension_numbers = #tpu.dot_dimension_numbers<[1], [1], [0], [0], [0, 0, 1, 0], [], []>, transpose_lhs_hint = false} : vector<1x128xf32>, vector<64x128xf32>, vector<1x64xf32> -> vector<1x64xf32>
    %add3A_300 = arith.addf %add3A_284, %dot_general3A_299 : vector<1x64xf32>
    %mul3A_301 = arith.constant 8 : i32
    %mul3A_302 = arith.muli %add3A_218, %mul3A_301 : i32
    %add3A_303 = arith.constant 5 : i32
    %add3A_304 = arith.addi %mul3A_302, %add3A_303 : i32
    %get3A_305 = arith.index_cast %add3A_304 : i32 to index
    %get3A_306 = memref.load %arg2[%get3A_305] : memref<512xi32, #tpu.memory_space<smem>>
    %eq3A_307 = vector.broadcast %get3A_306 : i32 to vector<1x128xi32>
    %eq3A_308 = arith.cmpi eq, %iota3A, %eq3A_307 : vector<1x128xi32>
    %convert_element_type3A_309 = arith.extui %eq3A_308 : vector<1x128xi1> to vector<1x128xi32>
    %convert_element_type3A_310 = arith.sitofp %convert_element_type3A_309 : vector<1x128xi32> to vector<1x128xf32>
    %get3A_311 = arith.constant 0 : index
    %get3A_312 = arith.constant 0 : index
    %get3A_313 = vector.load %arg20[%get3A_311, %get3A_312] : memref<64x128xf32, #tpu.memory_space<vmem>>, vector<64x128xf32>
    %dot_general3A_314 = arith.constant dense<0.000000e+00> : vector<1x64xf32>
    %dot_general3A_315 = tpu.matmul %convert_element_type3A_310, %get3A_313, %dot_general3A_314 {dimension_numbers = #tpu.dot_dimension_numbers<[1], [1], [0], [0], [0, 0, 1, 0], [], []>, transpose_lhs_hint = false} : vector<1x128xf32>, vector<64x128xf32>, vector<1x64xf32> -> vector<1x64xf32>
    %add3A_316 = arith.addf %add3A_300, %dot_general3A_315 : vector<1x64xf32>
    %iota3A_317 = tpu.iota {dimensions = array<i32: 0>} : vector<64x64xi32>
    %eq3A_318 = vector.broadcast %add3A_218 : i32 to vector<64x64xi32>
    %eq3A_319 = arith.cmpi eq, %iota3A_317, %eq3A_318 : vector<64x64xi32>
    %broadcast_in_dim3A_320 = vector.shape_cast %add3A_316 : vector<1x64xf32> to vector<1x64xf32>
    %broadcast_in_dim3A_321 = vector.broadcast %broadcast_in_dim3A_320 : vector<1x64xf32> to vector<64x64xf32>
    %jit3A_322 = arith.constant 0.000000e+00 : f32
    %broadcast_in_dim3A_323 = vector.broadcast %jit3A_322 : f32 to vector<64x64xf32>
    %select_n3A_324 = arith.select %eq3A_319, %broadcast_in_dim3A_321, %broadcast_in_dim3A_323 : vector<64x64xi1>, vector<64x64xf32>
    %add3A_325 = arith.addf %add3A_214, %select_n3A_324 : vector<64x64xf32>
    %mul3A_326 = arith.constant 8 : i32
    %mul3A_327 = arith.muli %arg0, %mul3A_326 : i32
    %add3A_328 = arith.constant 3 : i32
    %add3A_329 = arith.addi %mul3A_327, %add3A_328 : i32
    %broadcast_in_dim3A_330 = arith.constant 0.000000e+00 : f32
    %broadcast_in_dim3A_331 = vector.broadcast %broadcast_in_dim3A_330 : f32 to vector<1x64xf32>
    %mul3A_332 = arith.constant 8 : i32
    %mul3A_333 = arith.muli %add3A_329, %mul3A_332 : i32
    %add3A_334 = arith.constant 0 : i32
    %add3A_335 = arith.addi %mul3A_333, %add3A_334 : i32
    %get3A_336 = arith.index_cast %add3A_335 : i32 to index
    %get3A_337 = memref.load %arg2[%get3A_336] : memref<512xi32, #tpu.memory_space<smem>>
    %eq3A_338 = vector.broadcast %get3A_337 : i32 to vector<1x128xi32>
    %eq3A_339 = arith.cmpi eq, %iota3A, %eq3A_338 : vector<1x128xi32>
    %convert_element_type3A_340 = arith.extui %eq3A_339 : vector<1x128xi1> to vector<1x128xi32>
    %convert_element_type3A_341 = arith.sitofp %convert_element_type3A_340 : vector<1x128xi32> to vector<1x128xf32>
    %get3A_342 = arith.constant 0 : index
    %get3A_343 = arith.constant 0 : index
    %get3A_344 = vector.load %arg21[%get3A_342, %get3A_343] : memref<64x128xf32, #tpu.memory_space<vmem>>, vector<64x128xf32>
    %dot_general3A_345 = arith.constant dense<0.000000e+00> : vector<1x64xf32>
    %dot_general3A_346 = tpu.matmul %convert_element_type3A_341, %get3A_344, %dot_general3A_345 {dimension_numbers = #tpu.dot_dimension_numbers<[1], [1], [0], [0], [0, 0, 1, 0], [], []>, transpose_lhs_hint = false} : vector<1x128xf32>, vector<64x128xf32>, vector<1x64xf32> -> vector<1x64xf32>
    %add3A_347 = arith.addf %broadcast_in_dim3A_331, %dot_general3A_346 : vector<1x64xf32>
    %mul3A_348 = arith.constant 8 : i32
    %mul3A_349 = arith.muli %add3A_329, %mul3A_348 : i32
    %add3A_350 = arith.constant 1 : i32
    %add3A_351 = arith.addi %mul3A_349, %add3A_350 : i32
    %get3A_352 = arith.index_cast %add3A_351 : i32 to index
    %get3A_353 = memref.load %arg2[%get3A_352] : memref<512xi32, #tpu.memory_space<smem>>
    %eq3A_354 = vector.broadcast %get3A_353 : i32 to vector<1x128xi32>
    %eq3A_355 = arith.cmpi eq, %iota3A, %eq3A_354 : vector<1x128xi32>
    %convert_element_type3A_356 = arith.extui %eq3A_355 : vector<1x128xi1> to vector<1x128xi32>
    %convert_element_type3A_357 = arith.sitofp %convert_element_type3A_356 : vector<1x128xi32> to vector<1x128xf32>
    %get3A_358 = arith.constant 0 : index
    %get3A_359 = arith.constant 0 : index
    %get3A_360 = vector.load %arg22[%get3A_358, %get3A_359] : memref<64x128xf32, #tpu.memory_space<vmem>>, vector<64x128xf32>
    %dot_general3A_361 = arith.constant dense<0.000000e+00> : vector<1x64xf32>
    %dot_general3A_362 = tpu.matmul %convert_element_type3A_357, %get3A_360, %dot_general3A_361 {dimension_numbers = #tpu.dot_dimension_numbers<[1], [1], [0], [0], [0, 0, 1, 0], [], []>, transpose_lhs_hint = false} : vector<1x128xf32>, vector<64x128xf32>, vector<1x64xf32> -> vector<1x64xf32>
    %add3A_363 = arith.addf %add3A_347, %dot_general3A_362 : vector<1x64xf32>
    %mul3A_364 = arith.constant 8 : i32
    %mul3A_365 = arith.muli %add3A_329, %mul3A_364 : i32
    %add3A_366 = arith.constant 2 : i32
    %add3A_367 = arith.addi %mul3A_365, %add3A_366 : i32
    %get3A_368 = arith.index_cast %add3A_367 : i32 to index
    %get3A_369 = memref.load %arg2[%get3A_368] : memref<512xi32, #tpu.memory_space<smem>>
    %eq3A_370 = vector.broadcast %get3A_369 : i32 to vector<1x128xi32>
    %eq3A_371 = arith.cmpi eq, %iota3A, %eq3A_370 : vector<1x128xi32>
    %convert_element_type3A_372 = arith.extui %eq3A_371 : vector<1x128xi1> to vector<1x128xi32>
    %convert_element_type3A_373 = arith.sitofp %convert_element_type3A_372 : vector<1x128xi32> to vector<1x128xf32>
    %get3A_374 = arith.constant 0 : index
    %get3A_375 = arith.constant 0 : index
    %get3A_376 = vector.load %arg23[%get3A_374, %get3A_375] : memref<64x128xf32, #tpu.memory_space<vmem>>, vector<64x128xf32>
    %dot_general3A_377 = arith.constant dense<0.000000e+00> : vector<1x64xf32>
    %dot_general3A_378 = tpu.matmul %convert_element_type3A_373, %get3A_376, %dot_general3A_377 {dimension_numbers = #tpu.dot_dimension_numbers<[1], [1], [0], [0], [0, 0, 1, 0], [], []>, transpose_lhs_hint = false} : vector<1x128xf32>, vector<64x128xf32>, vector<1x64xf32> -> vector<1x64xf32>
    %add3A_379 = arith.addf %add3A_363, %dot_general3A_378 : vector<1x64xf32>
    %mul3A_380 = arith.constant 8 : i32
    %mul3A_381 = arith.muli %add3A_329, %mul3A_380 : i32
    %add3A_382 = arith.constant 3 : i32
    %add3A_383 = arith.addi %mul3A_381, %add3A_382 : i32
    %get3A_384 = arith.index_cast %add3A_383 : i32 to index
    %get3A_385 = memref.load %arg2[%get3A_384] : memref<512xi32, #tpu.memory_space<smem>>
    %eq3A_386 = vector.broadcast %get3A_385 : i32 to vector<1x128xi32>
    %eq3A_387 = arith.cmpi eq, %iota3A, %eq3A_386 : vector<1x128xi32>
    %convert_element_type3A_388 = arith.extui %eq3A_387 : vector<1x128xi1> to vector<1x128xi32>
    %convert_element_type3A_389 = arith.sitofp %convert_element_type3A_388 : vector<1x128xi32> to vector<1x128xf32>
    %get3A_390 = arith.constant 0 : index
    %get3A_391 = arith.constant 0 : index
    %get3A_392 = vector.load %arg24[%get3A_390, %get3A_391] : memref<64x128xf32, #tpu.memory_space<vmem>>, vector<64x128xf32>
    %dot_general3A_393 = arith.constant dense<0.000000e+00> : vector<1x64xf32>
    %dot_general3A_394 = tpu.matmul %convert_element_type3A_389, %get3A_392, %dot_general3A_393 {dimension_numbers = #tpu.dot_dimension_numbers<[1], [1], [0], [0], [0, 0, 1, 0], [], []>, transpose_lhs_hint = false} : vector<1x128xf32>, vector<64x128xf32>, vector<1x64xf32> -> vector<1x64xf32>
    %add3A_395 = arith.addf %add3A_379, %dot_general3A_394 : vector<1x64xf32>
    %mul3A_396 = arith.constant 8 : i32
    %mul3A_397 = arith.muli %add3A_329, %mul3A_396 : i32
    %add3A_398 = arith.constant 4 : i32
    %add3A_399 = arith.addi %mul3A_397, %add3A_398 : i32
    %get3A_400 = arith.index_cast %add3A_399 : i32 to index
    %get3A_401 = memref.load %arg2[%get3A_400] : memref<512xi32, #tpu.memory_space<smem>>
    %eq3A_402 = vector.broadcast %get3A_401 : i32 to vector<1x128xi32>
    %eq3A_403 = arith.cmpi eq, %iota3A, %eq3A_402 : vector<1x128xi32>
    %convert_element_type3A_404 = arith.extui %eq3A_403 : vector<1x128xi1> to vector<1x128xi32>
    %convert_element_type3A_405 = arith.sitofp %convert_element_type3A_404 : vector<1x128xi32> to vector<1x128xf32>
    %get3A_406 = arith.constant 0 : index
    %get3A_407 = arith.constant 0 : index
    %get3A_408 = vector.load %arg25[%get3A_406, %get3A_407] : memref<64x128xf32, #tpu.memory_space<vmem>>, vector<64x128xf32>
    %dot_general3A_409 = arith.constant dense<0.000000e+00> : vector<1x64xf32>
    %dot_general3A_410 = tpu.matmul %convert_element_type3A_405, %get3A_408, %dot_general3A_409 {dimension_numbers = #tpu.dot_dimension_numbers<[1], [1], [0], [0], [0, 0, 1, 0], [], []>, transpose_lhs_hint = false} : vector<1x128xf32>, vector<64x128xf32>, vector<1x64xf32> -> vector<1x64xf32>
    %add3A_411 = arith.addf %add3A_395, %dot_general3A_410 : vector<1x64xf32>
    %mul3A_412 = arith.constant 8 : i32
    %mul3A_413 = arith.muli %add3A_329, %mul3A_412 : i32
    %add3A_414 = arith.constant 5 : i32
    %add3A_415 = arith.addi %mul3A_413, %add3A_414 : i32
    %get3A_416 = arith.index_cast %add3A_415 : i32 to index
    %get3A_417 = memref.load %arg2[%get3A_416] : memref<512xi32, #tpu.memory_space<smem>>
    %eq3A_418 = vector.broadcast %get3A_417 : i32 to vector<1x128xi32>
    %eq3A_419 = arith.cmpi eq, %iota3A, %eq3A_418 : vector<1x128xi32>
    %convert_element_type3A_420 = arith.extui %eq3A_419 : vector<1x128xi1> to vector<1x128xi32>
    %convert_element_type3A_421 = arith.sitofp %convert_element_type3A_420 : vector<1x128xi32> to vector<1x128xf32>
    %get3A_422 = arith.constant 0 : index
    %get3A_423 = arith.constant 0 : index
    %get3A_424 = vector.load %arg26[%get3A_422, %get3A_423] : memref<64x128xf32, #tpu.memory_space<vmem>>, vector<64x128xf32>
    %dot_general3A_425 = arith.constant dense<0.000000e+00> : vector<1x64xf32>
    %dot_general3A_426 = tpu.matmul %convert_element_type3A_421, %get3A_424, %dot_general3A_425 {dimension_numbers = #tpu.dot_dimension_numbers<[1], [1], [0], [0], [0, 0, 1, 0], [], []>, transpose_lhs_hint = false} : vector<1x128xf32>, vector<64x128xf32>, vector<1x64xf32> -> vector<1x64xf32>
    %add3A_427 = arith.addf %add3A_411, %dot_general3A_426 : vector<1x64xf32>
    %iota3A_428 = tpu.iota {dimensions = array<i32: 0>} : vector<64x64xi32>
    %eq3A_429 = vector.broadcast %add3A_329 : i32 to vector<64x64xi32>
    %eq3A_430 = arith.cmpi eq, %iota3A_428, %eq3A_429 : vector<64x64xi32>
    %broadcast_in_dim3A_431 = vector.shape_cast %add3A_427 : vector<1x64xf32> to vector<1x64xf32>
    %broadcast_in_dim3A_432 = vector.broadcast %broadcast_in_dim3A_431 : vector<1x64xf32> to vector<64x64xf32>
    %jit3A_433 = arith.constant 0.000000e+00 : f32
    %broadcast_in_dim3A_434 = vector.broadcast %jit3A_433 : f32 to vector<64x64xf32>
    %select_n3A_435 = arith.select %eq3A_430, %broadcast_in_dim3A_432, %broadcast_in_dim3A_434 : vector<64x64xi1>, vector<64x64xf32>
    %add3A_436 = arith.addf %add3A_325, %select_n3A_435 : vector<64x64xf32>
    %mul3A_437 = arith.constant 8 : i32
    %mul3A_438 = arith.muli %arg0, %mul3A_437 : i32
    %add3A_439 = arith.constant 4 : i32
    %add3A_440 = arith.addi %mul3A_438, %add3A_439 : i32
    %broadcast_in_dim3A_441 = arith.constant 0.000000e+00 : f32
    %broadcast_in_dim3A_442 = vector.broadcast %broadcast_in_dim3A_441 : f32 to vector<1x64xf32>
    %mul3A_443 = arith.constant 8 : i32
    %mul3A_444 = arith.muli %add3A_440, %mul3A_443 : i32
    %add3A_445 = arith.constant 0 : i32
    %add3A_446 = arith.addi %mul3A_444, %add3A_445 : i32
    %get3A_447 = arith.index_cast %add3A_446 : i32 to index
    %get3A_448 = memref.load %arg2[%get3A_447] : memref<512xi32, #tpu.memory_space<smem>>
    %eq3A_449 = vector.broadcast %get3A_448 : i32 to vector<1x128xi32>
    %eq3A_450 = arith.cmpi eq, %iota3A, %eq3A_449 : vector<1x128xi32>
    %convert_element_type3A_451 = arith.extui %eq3A_450 : vector<1x128xi1> to vector<1x128xi32>
    %convert_element_type3A_452 = arith.sitofp %convert_element_type3A_451 : vector<1x128xi32> to vector<1x128xf32>
    %get3A_453 = arith.constant 0 : index
    %get3A_454 = arith.constant 0 : index
    %get3A_455 = vector.load %arg27[%get3A_453, %get3A_454] : memref<64x128xf32, #tpu.memory_space<vmem>>, vector<64x128xf32>
    %dot_general3A_456 = arith.constant dense<0.000000e+00> : vector<1x64xf32>
    %dot_general3A_457 = tpu.matmul %convert_element_type3A_452, %get3A_455, %dot_general3A_456 {dimension_numbers = #tpu.dot_dimension_numbers<[1], [1], [0], [0], [0, 0, 1, 0], [], []>, transpose_lhs_hint = false} : vector<1x128xf32>, vector<64x128xf32>, vector<1x64xf32> -> vector<1x64xf32>
    %add3A_458 = arith.addf %broadcast_in_dim3A_442, %dot_general3A_457 : vector<1x64xf32>
    %mul3A_459 = arith.constant 8 : i32
    %mul3A_460 = arith.muli %add3A_440, %mul3A_459 : i32
    %add3A_461 = arith.constant 1 : i32
    %add3A_462 = arith.addi %mul3A_460, %add3A_461 : i32
    %get3A_463 = arith.index_cast %add3A_462 : i32 to index
    %get3A_464 = memref.load %arg2[%get3A_463] : memref<512xi32, #tpu.memory_space<smem>>
    %eq3A_465 = vector.broadcast %get3A_464 : i32 to vector<1x128xi32>
    %eq3A_466 = arith.cmpi eq, %iota3A, %eq3A_465 : vector<1x128xi32>
    %convert_element_type3A_467 = arith.extui %eq3A_466 : vector<1x128xi1> to vector<1x128xi32>
    %convert_element_type3A_468 = arith.sitofp %convert_element_type3A_467 : vector<1x128xi32> to vector<1x128xf32>
    %get3A_469 = arith.constant 0 : index
    %get3A_470 = arith.constant 0 : index
    %get3A_471 = vector.load %arg28[%get3A_469, %get3A_470] : memref<64x128xf32, #tpu.memory_space<vmem>>, vector<64x128xf32>
    %dot_general3A_472 = arith.constant dense<0.000000e+00> : vector<1x64xf32>
    %dot_general3A_473 = tpu.matmul %convert_element_type3A_468, %get3A_471, %dot_general3A_472 {dimension_numbers = #tpu.dot_dimension_numbers<[1], [1], [0], [0], [0, 0, 1, 0], [], []>, transpose_lhs_hint = false} : vector<1x128xf32>, vector<64x128xf32>, vector<1x64xf32> -> vector<1x64xf32>
    %add3A_474 = arith.addf %add3A_458, %dot_general3A_473 : vector<1x64xf32>
    %mul3A_475 = arith.constant 8 : i32
    %mul3A_476 = arith.muli %add3A_440, %mul3A_475 : i32
    %add3A_477 = arith.constant 2 : i32
    %add3A_478 = arith.addi %mul3A_476, %add3A_477 : i32
    %get3A_479 = arith.index_cast %add3A_478 : i32 to index
    %get3A_480 = memref.load %arg2[%get3A_479] : memref<512xi32, #tpu.memory_space<smem>>
    %eq3A_481 = vector.broadcast %get3A_480 : i32 to vector<1x128xi32>
    %eq3A_482 = arith.cmpi eq, %iota3A, %eq3A_481 : vector<1x128xi32>
    %convert_element_type3A_483 = arith.extui %eq3A_482 : vector<1x128xi1> to vector<1x128xi32>
    %convert_element_type3A_484 = arith.sitofp %convert_element_type3A_483 : vector<1x128xi32> to vector<1x128xf32>
    %get3A_485 = arith.constant 0 : index
    %get3A_486 = arith.constant 0 : index
    %get3A_487 = vector.load %arg29[%get3A_485, %get3A_486] : memref<64x128xf32, #tpu.memory_space<vmem>>, vector<64x128xf32>
    %dot_general3A_488 = arith.constant dense<0.000000e+00> : vector<1x64xf32>
    %dot_general3A_489 = tpu.matmul %convert_element_type3A_484, %get3A_487, %dot_general3A_488 {dimension_numbers = #tpu.dot_dimension_numbers<[1], [1], [0], [0], [0, 0, 1, 0], [], []>, transpose_lhs_hint = false} : vector<1x128xf32>, vector<64x128xf32>, vector<1x64xf32> -> vector<1x64xf32>
    %add3A_490 = arith.addf %add3A_474, %dot_general3A_489 : vector<1x64xf32>
    %mul3A_491 = arith.constant 8 : i32
    %mul3A_492 = arith.muli %add3A_440, %mul3A_491 : i32
    %add3A_493 = arith.constant 3 : i32
    %add3A_494 = arith.addi %mul3A_492, %add3A_493 : i32
    %get3A_495 = arith.index_cast %add3A_494 : i32 to index
    %get3A_496 = memref.load %arg2[%get3A_495] : memref<512xi32, #tpu.memory_space<smem>>
    %eq3A_497 = vector.broadcast %get3A_496 : i32 to vector<1x128xi32>
    %eq3A_498 = arith.cmpi eq, %iota3A, %eq3A_497 : vector<1x128xi32>
    %convert_element_type3A_499 = arith.extui %eq3A_498 : vector<1x128xi1> to vector<1x128xi32>
    %convert_element_type3A_500 = arith.sitofp %convert_element_type3A_499 : vector<1x128xi32> to vector<1x128xf32>
    %get3A_501 = arith.constant 0 : index
    %get3A_502 = arith.constant 0 : index
    %get3A_503 = vector.load %arg30[%get3A_501, %get3A_502] : memref<64x128xf32, #tpu.memory_space<vmem>>, vector<64x128xf32>
    %dot_general3A_504 = arith.constant dense<0.000000e+00> : vector<1x64xf32>
    %dot_general3A_505 = tpu.matmul %convert_element_type3A_500, %get3A_503, %dot_general3A_504 {dimension_numbers = #tpu.dot_dimension_numbers<[1], [1], [0], [0], [0, 0, 1, 0], [], []>, transpose_lhs_hint = false} : vector<1x128xf32>, vector<64x128xf32>, vector<1x64xf32> -> vector<1x64xf32>
    %add3A_506 = arith.addf %add3A_490, %dot_general3A_505 : vector<1x64xf32>
    %mul3A_507 = arith.constant 8 : i32
    %mul3A_508 = arith.muli %add3A_440, %mul3A_507 : i32
    %add3A_509 = arith.constant 4 : i32
    %add3A_510 = arith.addi %mul3A_508, %add3A_509 : i32
    %get3A_511 = arith.index_cast %add3A_510 : i32 to index
    %get3A_512 = memref.load %arg2[%get3A_511] : memref<512xi32, #tpu.memory_space<smem>>
    %eq3A_513 = vector.broadcast %get3A_512 : i32 to vector<1x128xi32>
    %eq3A_514 = arith.cmpi eq, %iota3A, %eq3A_513 : vector<1x128xi32>
    %convert_element_type3A_515 = arith.extui %eq3A_514 : vector<1x128xi1> to vector<1x128xi32>
    %convert_element_type3A_516 = arith.sitofp %convert_element_type3A_515 : vector<1x128xi32> to vector<1x128xf32>
    %get3A_517 = arith.constant 0 : index
    %get3A_518 = arith.constant 0 : index
    %get3A_519 = vector.load %arg31[%get3A_517, %get3A_518] : memref<64x128xf32, #tpu.memory_space<vmem>>, vector<64x128xf32>
    %dot_general3A_520 = arith.constant dense<0.000000e+00> : vector<1x64xf32>
    %dot_general3A_521 = tpu.matmul %convert_element_type3A_516, %get3A_519, %dot_general3A_520 {dimension_numbers = #tpu.dot_dimension_numbers<[1], [1], [0], [0], [0, 0, 1, 0], [], []>, transpose_lhs_hint = false} : vector<1x128xf32>, vector<64x128xf32>, vector<1x64xf32> -> vector<1x64xf32>
    %add3A_522 = arith.addf %add3A_506, %dot_general3A_521 : vector<1x64xf32>
    %mul3A_523 = arith.constant 8 : i32
    %mul3A_524 = arith.muli %add3A_440, %mul3A_523 : i32
    %add3A_525 = arith.constant 5 : i32
    %add3A_526 = arith.addi %mul3A_524, %add3A_525 : i32
    %get3A_527 = arith.index_cast %add3A_526 : i32 to index
    %get3A_528 = memref.load %arg2[%get3A_527] : memref<512xi32, #tpu.memory_space<smem>>
    %eq3A_529 = vector.broadcast %get3A_528 : i32 to vector<1x128xi32>
    %eq3A_530 = arith.cmpi eq, %iota3A, %eq3A_529 : vector<1x128xi32>
    %convert_element_type3A_531 = arith.extui %eq3A_530 : vector<1x128xi1> to vector<1x128xi32>
    %convert_element_type3A_532 = arith.sitofp %convert_element_type3A_531 : vector<1x128xi32> to vector<1x128xf32>
    %get3A_533 = arith.constant 0 : index
    %get3A_534 = arith.constant 0 : index
    %get3A_535 = vector.load %arg32[%get3A_533, %get3A_534] : memref<64x128xf32, #tpu.memory_space<vmem>>, vector<64x128xf32>
    %dot_general3A_536 = arith.constant dense<0.000000e+00> : vector<1x64xf32>
    %dot_general3A_537 = tpu.matmul %convert_element_type3A_532, %get3A_535, %dot_general3A_536 {dimension_numbers = #tpu.dot_dimension_numbers<[1], [1], [0], [0], [0, 0, 1, 0], [], []>, transpose_lhs_hint = false} : vector<1x128xf32>, vector<64x128xf32>, vector<1x64xf32> -> vector<1x64xf32>
    %add3A_538 = arith.addf %add3A_522, %dot_general3A_537 : vector<1x64xf32>
    %iota3A_539 = tpu.iota {dimensions = array<i32: 0>} : vector<64x64xi32>
    %eq3A_540 = vector.broadcast %add3A_440 : i32 to vector<64x64xi32>
    %eq3A_541 = arith.cmpi eq, %iota3A_539, %eq3A_540 : vector<64x64xi32>
    %broadcast_in_dim3A_542 = vector.shape_cast %add3A_538 : vector<1x64xf32> to vector<1x64xf32>
    %broadcast_in_dim3A_543 = vector.broadcast %broadcast_in_dim3A_542 : vector<1x64xf32> to vector<64x64xf32>
    %jit3A_544 = arith.constant 0.000000e+00 : f32
    %broadcast_in_dim3A_545 = vector.broadcast %jit3A_544 : f32 to vector<64x64xf32>
    %select_n3A_546 = arith.select %eq3A_541, %broadcast_in_dim3A_543, %broadcast_in_dim3A_545 : vector<64x64xi1>, vector<64x64xf32>
    %add3A_547 = arith.addf %add3A_436, %select_n3A_546 : vector<64x64xf32>
    %mul3A_548 = arith.constant 8 : i32
    %mul3A_549 = arith.muli %arg0, %mul3A_548 : i32
    %add3A_550 = arith.constant 5 : i32
    %add3A_551 = arith.addi %mul3A_549, %add3A_550 : i32
    %broadcast_in_dim3A_552 = arith.constant 0.000000e+00 : f32
    %broadcast_in_dim3A_553 = vector.broadcast %broadcast_in_dim3A_552 : f32 to vector<1x64xf32>
    %mul3A_554 = arith.constant 8 : i32
    %mul3A_555 = arith.muli %add3A_551, %mul3A_554 : i32
    %add3A_556 = arith.constant 0 : i32
    %add3A_557 = arith.addi %mul3A_555, %add3A_556 : i32
    %get3A_558 = arith.index_cast %add3A_557 : i32 to index
    %get3A_559 = memref.load %arg2[%get3A_558] : memref<512xi32, #tpu.memory_space<smem>>
    %eq3A_560 = vector.broadcast %get3A_559 : i32 to vector<1x128xi32>
    %eq3A_561 = arith.cmpi eq, %iota3A, %eq3A_560 : vector<1x128xi32>
    %convert_element_type3A_562 = arith.extui %eq3A_561 : vector<1x128xi1> to vector<1x128xi32>
    %convert_element_type3A_563 = arith.sitofp %convert_element_type3A_562 : vector<1x128xi32> to vector<1x128xf32>
    %get3A_564 = arith.constant 0 : index
    %get3A_565 = arith.constant 0 : index
    %get3A_566 = vector.load %arg33[%get3A_564, %get3A_565] : memref<64x128xf32, #tpu.memory_space<vmem>>, vector<64x128xf32>
    %dot_general3A_567 = arith.constant dense<0.000000e+00> : vector<1x64xf32>
    %dot_general3A_568 = tpu.matmul %convert_element_type3A_563, %get3A_566, %dot_general3A_567 {dimension_numbers = #tpu.dot_dimension_numbers<[1], [1], [0], [0], [0, 0, 1, 0], [], []>, transpose_lhs_hint = false} : vector<1x128xf32>, vector<64x128xf32>, vector<1x64xf32> -> vector<1x64xf32>
    %add3A_569 = arith.addf %broadcast_in_dim3A_553, %dot_general3A_568 : vector<1x64xf32>
    %mul3A_570 = arith.constant 8 : i32
    %mul3A_571 = arith.muli %add3A_551, %mul3A_570 : i32
    %add3A_572 = arith.constant 1 : i32
    %add3A_573 = arith.addi %mul3A_571, %add3A_572 : i32
    %get3A_574 = arith.index_cast %add3A_573 : i32 to index
    %get3A_575 = memref.load %arg2[%get3A_574] : memref<512xi32, #tpu.memory_space<smem>>
    %eq3A_576 = vector.broadcast %get3A_575 : i32 to vector<1x128xi32>
    %eq3A_577 = arith.cmpi eq, %iota3A, %eq3A_576 : vector<1x128xi32>
    %convert_element_type3A_578 = arith.extui %eq3A_577 : vector<1x128xi1> to vector<1x128xi32>
    %convert_element_type3A_579 = arith.sitofp %convert_element_type3A_578 : vector<1x128xi32> to vector<1x128xf32>
    %get3A_580 = arith.constant 0 : index
    %get3A_581 = arith.constant 0 : index
    %get3A_582 = vector.load %arg34[%get3A_580, %get3A_581] : memref<64x128xf32, #tpu.memory_space<vmem>>, vector<64x128xf32>
    %dot_general3A_583 = arith.constant dense<0.000000e+00> : vector<1x64xf32>
    %dot_general3A_584 = tpu.matmul %convert_element_type3A_579, %get3A_582, %dot_general3A_583 {dimension_numbers = #tpu.dot_dimension_numbers<[1], [1], [0], [0], [0, 0, 1, 0], [], []>, transpose_lhs_hint = false} : vector<1x128xf32>, vector<64x128xf32>, vector<1x64xf32> -> vector<1x64xf32>
    %add3A_585 = arith.addf %add3A_569, %dot_general3A_584 : vector<1x64xf32>
    %mul3A_586 = arith.constant 8 : i32
    %mul3A_587 = arith.muli %add3A_551, %mul3A_586 : i32
    %add3A_588 = arith.constant 2 : i32
    %add3A_589 = arith.addi %mul3A_587, %add3A_588 : i32
    %get3A_590 = arith.index_cast %add3A_589 : i32 to index
    %get3A_591 = memref.load %arg2[%get3A_590] : memref<512xi32, #tpu.memory_space<smem>>
    %eq3A_592 = vector.broadcast %get3A_591 : i32 to vector<1x128xi32>
    %eq3A_593 = arith.cmpi eq, %iota3A, %eq3A_592 : vector<1x128xi32>
    %convert_element_type3A_594 = arith.extui %eq3A_593 : vector<1x128xi1> to vector<1x128xi32>
    %convert_element_type3A_595 = arith.sitofp %convert_element_type3A_594 : vector<1x128xi32> to vector<1x128xf32>
    %get3A_596 = arith.constant 0 : index
    %get3A_597 = arith.constant 0 : index
    %get3A_598 = vector.load %arg35[%get3A_596, %get3A_597] : memref<64x128xf32, #tpu.memory_space<vmem>>, vector<64x128xf32>
    %dot_general3A_599 = arith.constant dense<0.000000e+00> : vector<1x64xf32>
    %dot_general3A_600 = tpu.matmul %convert_element_type3A_595, %get3A_598, %dot_general3A_599 {dimension_numbers = #tpu.dot_dimension_numbers<[1], [1], [0], [0], [0, 0, 1, 0], [], []>, transpose_lhs_hint = false} : vector<1x128xf32>, vector<64x128xf32>, vector<1x64xf32> -> vector<1x64xf32>
    %add3A_601 = arith.addf %add3A_585, %dot_general3A_600 : vector<1x64xf32>
    %mul3A_602 = arith.constant 8 : i32
    %mul3A_603 = arith.muli %add3A_551, %mul3A_602 : i32
    %add3A_604 = arith.constant 3 : i32
    %add3A_605 = arith.addi %mul3A_603, %add3A_604 : i32
    %get3A_606 = arith.index_cast %add3A_605 : i32 to index
    %get3A_607 = memref.load %arg2[%get3A_606] : memref<512xi32, #tpu.memory_space<smem>>
    %eq3A_608 = vector.broadcast %get3A_607 : i32 to vector<1x128xi32>
    %eq3A_609 = arith.cmpi eq, %iota3A, %eq3A_608 : vector<1x128xi32>
    %convert_element_type3A_610 = arith.extui %eq3A_609 : vector<1x128xi1> to vector<1x128xi32>
    %convert_element_type3A_611 = arith.sitofp %convert_element_type3A_610 : vector<1x128xi32> to vector<1x128xf32>
    %get3A_612 = arith.constant 0 : index
    %get3A_613 = arith.constant 0 : index
    %get3A_614 = vector.load %arg36[%get3A_612, %get3A_613] : memref<64x128xf32, #tpu.memory_space<vmem>>, vector<64x128xf32>
    %dot_general3A_615 = arith.constant dense<0.000000e+00> : vector<1x64xf32>
    %dot_general3A_616 = tpu.matmul %convert_element_type3A_611, %get3A_614, %dot_general3A_615 {dimension_numbers = #tpu.dot_dimension_numbers<[1], [1], [0], [0], [0, 0, 1, 0], [], []>, transpose_lhs_hint = false} : vector<1x128xf32>, vector<64x128xf32>, vector<1x64xf32> -> vector<1x64xf32>
    %add3A_617 = arith.addf %add3A_601, %dot_general3A_616 : vector<1x64xf32>
    %mul3A_618 = arith.constant 8 : i32
    %mul3A_619 = arith.muli %add3A_551, %mul3A_618 : i32
    %add3A_620 = arith.constant 4 : i32
    %add3A_621 = arith.addi %mul3A_619, %add3A_620 : i32
    %get3A_622 = arith.index_cast %add3A_621 : i32 to index
    %get3A_623 = memref.load %arg2[%get3A_622] : memref<512xi32, #tpu.memory_space<smem>>
    %eq3A_624 = vector.broadcast %get3A_623 : i32 to vector<1x128xi32>
    %eq3A_625 = arith.cmpi eq, %iota3A, %eq3A_624 : vector<1x128xi32>
    %convert_element_type3A_626 = arith.extui %eq3A_625 : vector<1x128xi1> to vector<1x128xi32>
    %convert_element_type3A_627 = arith.sitofp %convert_element_type3A_626 : vector<1x128xi32> to vector<1x128xf32>
    %get3A_628 = arith.constant 0 : index
    %get3A_629 = arith.constant 0 : index
    %get3A_630 = vector.load %arg37[%get3A_628, %get3A_629] : memref<64x128xf32, #tpu.memory_space<vmem>>, vector<64x128xf32>
    %dot_general3A_631 = arith.constant dense<0.000000e+00> : vector<1x64xf32>
    %dot_general3A_632 = tpu.matmul %convert_element_type3A_627, %get3A_630, %dot_general3A_631 {dimension_numbers = #tpu.dot_dimension_numbers<[1], [1], [0], [0], [0, 0, 1, 0], [], []>, transpose_lhs_hint = false} : vector<1x128xf32>, vector<64x128xf32>, vector<1x64xf32> -> vector<1x64xf32>
    %add3A_633 = arith.addf %add3A_617, %dot_general3A_632 : vector<1x64xf32>
    %mul3A_634 = arith.constant 8 : i32
    %mul3A_635 = arith.muli %add3A_551, %mul3A_634 : i32
    %add3A_636 = arith.constant 5 : i32
    %add3A_637 = arith.addi %mul3A_635, %add3A_636 : i32
    %get3A_638 = arith.index_cast %add3A_637 : i32 to index
    %get3A_639 = memref.load %arg2[%get3A_638] : memref<512xi32, #tpu.memory_space<smem>>
    %eq3A_640 = vector.broadcast %get3A_639 : i32 to vector<1x128xi32>
    %eq3A_641 = arith.cmpi eq, %iota3A, %eq3A_640 : vector<1x128xi32>
    %convert_element_type3A_642 = arith.extui %eq3A_641 : vector<1x128xi1> to vector<1x128xi32>
    %convert_element_type3A_643 = arith.sitofp %convert_element_type3A_642 : vector<1x128xi32> to vector<1x128xf32>
    %get3A_644 = arith.constant 0 : index
    %get3A_645 = arith.constant 0 : index
    %get3A_646 = vector.load %arg38[%get3A_644, %get3A_645] : memref<64x128xf32, #tpu.memory_space<vmem>>, vector<64x128xf32>
    %dot_general3A_647 = arith.constant dense<0.000000e+00> : vector<1x64xf32>
    %dot_general3A_648 = tpu.matmul %convert_element_type3A_643, %get3A_646, %dot_general3A_647 {dimension_numbers = #tpu.dot_dimension_numbers<[1], [1], [0], [0], [0, 0, 1, 0], [], []>, transpose_lhs_hint = false} : vector<1x128xf32>, vector<64x128xf32>, vector<1x64xf32> -> vector<1x64xf32>
    %add3A_649 = arith.addf %add3A_633, %dot_general3A_648 : vector<1x64xf32>
    %iota3A_650 = tpu.iota {dimensions = array<i32: 0>} : vector<64x64xi32>
    %eq3A_651 = vector.broadcast %add3A_551 : i32 to vector<64x64xi32>
    %eq3A_652 = arith.cmpi eq, %iota3A_650, %eq3A_651 : vector<64x64xi32>
    %broadcast_in_dim3A_653 = vector.shape_cast %add3A_649 : vector<1x64xf32> to vector<1x64xf32>
    %broadcast_in_dim3A_654 = vector.broadcast %broadcast_in_dim3A_653 : vector<1x64xf32> to vector<64x64xf32>
    %jit3A_655 = arith.constant 0.000000e+00 : f32
    %broadcast_in_dim3A_656 = vector.broadcast %jit3A_655 : f32 to vector<64x64xf32>
    %select_n3A_657 = arith.select %eq3A_652, %broadcast_in_dim3A_654, %broadcast_in_dim3A_656 : vector<64x64xi1>, vector<64x64xf32>
    %add3A_658 = arith.addf %add3A_547, %select_n3A_657 : vector<64x64xf32>
    %mul3A_659 = arith.constant 8 : i32
    %mul3A_660 = arith.muli %arg0, %mul3A_659 : i32
    %add3A_661 = arith.constant 6 : i32
    %add3A_662 = arith.addi %mul3A_660, %add3A_661 : i32
    %broadcast_in_dim3A_663 = arith.constant 0.000000e+00 : f32
    %broadcast_in_dim3A_664 = vector.broadcast %broadcast_in_dim3A_663 : f32 to vector<1x64xf32>
    %mul3A_665 = arith.constant 8 : i32
    %mul3A_666 = arith.muli %add3A_662, %mul3A_665 : i32
    %add3A_667 = arith.constant 0 : i32
    %add3A_668 = arith.addi %mul3A_666, %add3A_667 : i32
    %get3A_669 = arith.index_cast %add3A_668 : i32 to index
    %get3A_670 = memref.load %arg2[%get3A_669] : memref<512xi32, #tpu.memory_space<smem>>
    %eq3A_671 = vector.broadcast %get3A_670 : i32 to vector<1x128xi32>
    %eq3A_672 = arith.cmpi eq, %iota3A, %eq3A_671 : vector<1x128xi32>
    %convert_element_type3A_673 = arith.extui %eq3A_672 : vector<1x128xi1> to vector<1x128xi32>
    %convert_element_type3A_674 = arith.sitofp %convert_element_type3A_673 : vector<1x128xi32> to vector<1x128xf32>
    %get3A_675 = arith.constant 0 : index
    %get3A_676 = arith.constant 0 : index
    %get3A_677 = vector.load %arg39[%get3A_675, %get3A_676] : memref<64x128xf32, #tpu.memory_space<vmem>>, vector<64x128xf32>
    %dot_general3A_678 = arith.constant dense<0.000000e+00> : vector<1x64xf32>
    %dot_general3A_679 = tpu.matmul %convert_element_type3A_674, %get3A_677, %dot_general3A_678 {dimension_numbers = #tpu.dot_dimension_numbers<[1], [1], [0], [0], [0, 0, 1, 0], [], []>, transpose_lhs_hint = false} : vector<1x128xf32>, vector<64x128xf32>, vector<1x64xf32> -> vector<1x64xf32>
    %add3A_680 = arith.addf %broadcast_in_dim3A_664, %dot_general3A_679 : vector<1x64xf32>
    %mul3A_681 = arith.constant 8 : i32
    %mul3A_682 = arith.muli %add3A_662, %mul3A_681 : i32
    %add3A_683 = arith.constant 1 : i32
    %add3A_684 = arith.addi %mul3A_682, %add3A_683 : i32
    %get3A_685 = arith.index_cast %add3A_684 : i32 to index
    %get3A_686 = memref.load %arg2[%get3A_685] : memref<512xi32, #tpu.memory_space<smem>>
    %eq3A_687 = vector.broadcast %get3A_686 : i32 to vector<1x128xi32>
    %eq3A_688 = arith.cmpi eq, %iota3A, %eq3A_687 : vector<1x128xi32>
    %convert_element_type3A_689 = arith.extui %eq3A_688 : vector<1x128xi1> to vector<1x128xi32>
    %convert_element_type3A_690 = arith.sitofp %convert_element_type3A_689 : vector<1x128xi32> to vector<1x128xf32>
    %get3A_691 = arith.constant 0 : index
    %get3A_692 = arith.constant 0 : index
    %get3A_693 = vector.load %arg40[%get3A_691, %get3A_692] : memref<64x128xf32, #tpu.memory_space<vmem>>, vector<64x128xf32>
    %dot_general3A_694 = arith.constant dense<0.000000e+00> : vector<1x64xf32>
    %dot_general3A_695 = tpu.matmul %convert_element_type3A_690, %get3A_693, %dot_general3A_694 {dimension_numbers = #tpu.dot_dimension_numbers<[1], [1], [0], [0], [0, 0, 1, 0], [], []>, transpose_lhs_hint = false} : vector<1x128xf32>, vector<64x128xf32>, vector<1x64xf32> -> vector<1x64xf32>
    %add3A_696 = arith.addf %add3A_680, %dot_general3A_695 : vector<1x64xf32>
    %mul3A_697 = arith.constant 8 : i32
    %mul3A_698 = arith.muli %add3A_662, %mul3A_697 : i32
    %add3A_699 = arith.constant 2 : i32
    %add3A_700 = arith.addi %mul3A_698, %add3A_699 : i32
    %get3A_701 = arith.index_cast %add3A_700 : i32 to index
    %get3A_702 = memref.load %arg2[%get3A_701] : memref<512xi32, #tpu.memory_space<smem>>
    %eq3A_703 = vector.broadcast %get3A_702 : i32 to vector<1x128xi32>
    %eq3A_704 = arith.cmpi eq, %iota3A, %eq3A_703 : vector<1x128xi32>
    %convert_element_type3A_705 = arith.extui %eq3A_704 : vector<1x128xi1> to vector<1x128xi32>
    %convert_element_type3A_706 = arith.sitofp %convert_element_type3A_705 : vector<1x128xi32> to vector<1x128xf32>
    %get3A_707 = arith.constant 0 : index
    %get3A_708 = arith.constant 0 : index
    %get3A_709 = vector.load %arg41[%get3A_707, %get3A_708] : memref<64x128xf32, #tpu.memory_space<vmem>>, vector<64x128xf32>
    %dot_general3A_710 = arith.constant dense<0.000000e+00> : vector<1x64xf32>
    %dot_general3A_711 = tpu.matmul %convert_element_type3A_706, %get3A_709, %dot_general3A_710 {dimension_numbers = #tpu.dot_dimension_numbers<[1], [1], [0], [0], [0, 0, 1, 0], [], []>, transpose_lhs_hint = false} : vector<1x128xf32>, vector<64x128xf32>, vector<1x64xf32> -> vector<1x64xf32>
    %add3A_712 = arith.addf %add3A_696, %dot_general3A_711 : vector<1x64xf32>
    %mul3A_713 = arith.constant 8 : i32
    %mul3A_714 = arith.muli %add3A_662, %mul3A_713 : i32
    %add3A_715 = arith.constant 3 : i32
    %add3A_716 = arith.addi %mul3A_714, %add3A_715 : i32
    %get3A_717 = arith.index_cast %add3A_716 : i32 to index
    %get3A_718 = memref.load %arg2[%get3A_717] : memref<512xi32, #tpu.memory_space<smem>>
    %eq3A_719 = vector.broadcast %get3A_718 : i32 to vector<1x128xi32>
    %eq3A_720 = arith.cmpi eq, %iota3A, %eq3A_719 : vector<1x128xi32>
    %convert_element_type3A_721 = arith.extui %eq3A_720 : vector<1x128xi1> to vector<1x128xi32>
    %convert_element_type3A_722 = arith.sitofp %convert_element_type3A_721 : vector<1x128xi32> to vector<1x128xf32>
    %get3A_723 = arith.constant 0 : index
    %get3A_724 = arith.constant 0 : index
    %get3A_725 = vector.load %arg42[%get3A_723, %get3A_724] : memref<64x128xf32, #tpu.memory_space<vmem>>, vector<64x128xf32>
    %dot_general3A_726 = arith.constant dense<0.000000e+00> : vector<1x64xf32>
    %dot_general3A_727 = tpu.matmul %convert_element_type3A_722, %get3A_725, %dot_general3A_726 {dimension_numbers = #tpu.dot_dimension_numbers<[1], [1], [0], [0], [0, 0, 1, 0], [], []>, transpose_lhs_hint = false} : vector<1x128xf32>, vector<64x128xf32>, vector<1x64xf32> -> vector<1x64xf32>
    %add3A_728 = arith.addf %add3A_712, %dot_general3A_727 : vector<1x64xf32>
    %mul3A_729 = arith.constant 8 : i32
    %mul3A_730 = arith.muli %add3A_662, %mul3A_729 : i32
    %add3A_731 = arith.constant 4 : i32
    %add3A_732 = arith.addi %mul3A_730, %add3A_731 : i32
    %get3A_733 = arith.index_cast %add3A_732 : i32 to index
    %get3A_734 = memref.load %arg2[%get3A_733] : memref<512xi32, #tpu.memory_space<smem>>
    %eq3A_735 = vector.broadcast %get3A_734 : i32 to vector<1x128xi32>
    %eq3A_736 = arith.cmpi eq, %iota3A, %eq3A_735 : vector<1x128xi32>
    %convert_element_type3A_737 = arith.extui %eq3A_736 : vector<1x128xi1> to vector<1x128xi32>
    %convert_element_type3A_738 = arith.sitofp %convert_element_type3A_737 : vector<1x128xi32> to vector<1x128xf32>
    %get3A_739 = arith.constant 0 : index
    %get3A_740 = arith.constant 0 : index
    %get3A_741 = vector.load %arg43[%get3A_739, %get3A_740] : memref<64x128xf32, #tpu.memory_space<vmem>>, vector<64x128xf32>
    %dot_general3A_742 = arith.constant dense<0.000000e+00> : vector<1x64xf32>
    %dot_general3A_743 = tpu.matmul %convert_element_type3A_738, %get3A_741, %dot_general3A_742 {dimension_numbers = #tpu.dot_dimension_numbers<[1], [1], [0], [0], [0, 0, 1, 0], [], []>, transpose_lhs_hint = false} : vector<1x128xf32>, vector<64x128xf32>, vector<1x64xf32> -> vector<1x64xf32>
    %add3A_744 = arith.addf %add3A_728, %dot_general3A_743 : vector<1x64xf32>
    %mul3A_745 = arith.constant 8 : i32
    %mul3A_746 = arith.muli %add3A_662, %mul3A_745 : i32
    %add3A_747 = arith.constant 5 : i32
    %add3A_748 = arith.addi %mul3A_746, %add3A_747 : i32
    %get3A_749 = arith.index_cast %add3A_748 : i32 to index
    %get3A_750 = memref.load %arg2[%get3A_749] : memref<512xi32, #tpu.memory_space<smem>>
    %eq3A_751 = vector.broadcast %get3A_750 : i32 to vector<1x128xi32>
    %eq3A_752 = arith.cmpi eq, %iota3A, %eq3A_751 : vector<1x128xi32>
    %convert_element_type3A_753 = arith.extui %eq3A_752 : vector<1x128xi1> to vector<1x128xi32>
    %convert_element_type3A_754 = arith.sitofp %convert_element_type3A_753 : vector<1x128xi32> to vector<1x128xf32>
    %get3A_755 = arith.constant 0 : index
    %get3A_756 = arith.constant 0 : index
    %get3A_757 = vector.load %arg44[%get3A_755, %get3A_756] : memref<64x128xf32, #tpu.memory_space<vmem>>, vector<64x128xf32>
    %dot_general3A_758 = arith.constant dense<0.000000e+00> : vector<1x64xf32>
    %dot_general3A_759 = tpu.matmul %convert_element_type3A_754, %get3A_757, %dot_general3A_758 {dimension_numbers = #tpu.dot_dimension_numbers<[1], [1], [0], [0], [0, 0, 1, 0], [], []>, transpose_lhs_hint = false} : vector<1x128xf32>, vector<64x128xf32>, vector<1x64xf32> -> vector<1x64xf32>
    %add3A_760 = arith.addf %add3A_744, %dot_general3A_759 : vector<1x64xf32>
    %iota3A_761 = tpu.iota {dimensions = array<i32: 0>} : vector<64x64xi32>
    %eq3A_762 = vector.broadcast %add3A_662 : i32 to vector<64x64xi32>
    %eq3A_763 = arith.cmpi eq, %iota3A_761, %eq3A_762 : vector<64x64xi32>
    %broadcast_in_dim3A_764 = vector.shape_cast %add3A_760 : vector<1x64xf32> to vector<1x64xf32>
    %broadcast_in_dim3A_765 = vector.broadcast %broadcast_in_dim3A_764 : vector<1x64xf32> to vector<64x64xf32>
    %jit3A_766 = arith.constant 0.000000e+00 : f32
    %broadcast_in_dim3A_767 = vector.broadcast %jit3A_766 : f32 to vector<64x64xf32>
    %select_n3A_768 = arith.select %eq3A_763, %broadcast_in_dim3A_765, %broadcast_in_dim3A_767 : vector<64x64xi1>, vector<64x64xf32>
    %add3A_769 = arith.addf %add3A_658, %select_n3A_768 : vector<64x64xf32>
    %mul3A_770 = arith.constant 8 : i32
    %mul3A_771 = arith.muli %arg0, %mul3A_770 : i32
    %add3A_772 = arith.constant 7 : i32
    %add3A_773 = arith.addi %mul3A_771, %add3A_772 : i32
    %broadcast_in_dim3A_774 = arith.constant 0.000000e+00 : f32
    %broadcast_in_dim3A_775 = vector.broadcast %broadcast_in_dim3A_774 : f32 to vector<1x64xf32>
    %mul3A_776 = arith.constant 8 : i32
    %mul3A_777 = arith.muli %add3A_773, %mul3A_776 : i32
    %add3A_778 = arith.constant 0 : i32
    %add3A_779 = arith.addi %mul3A_777, %add3A_778 : i32
    %get3A_780 = arith.index_cast %add3A_779 : i32 to index
    %get3A_781 = memref.load %arg2[%get3A_780] : memref<512xi32, #tpu.memory_space<smem>>
    %eq3A_782 = vector.broadcast %get3A_781 : i32 to vector<1x128xi32>
    %eq3A_783 = arith.cmpi eq, %iota3A, %eq3A_782 : vector<1x128xi32>
    %convert_element_type3A_784 = arith.extui %eq3A_783 : vector<1x128xi1> to vector<1x128xi32>
    %convert_element_type3A_785 = arith.sitofp %convert_element_type3A_784 : vector<1x128xi32> to vector<1x128xf32>
    %get3A_786 = arith.constant 0 : index
    %get3A_787 = arith.constant 0 : index
    %get3A_788 = vector.load %arg45[%get3A_786, %get3A_787] : memref<64x128xf32, #tpu.memory_space<vmem>>, vector<64x128xf32>
    %dot_general3A_789 = arith.constant dense<0.000000e+00> : vector<1x64xf32>
    %dot_general3A_790 = tpu.matmul %convert_element_type3A_785, %get3A_788, %dot_general3A_789 {dimension_numbers = #tpu.dot_dimension_numbers<[1], [1], [0], [0], [0, 0, 1, 0], [], []>, transpose_lhs_hint = false} : vector<1x128xf32>, vector<64x128xf32>, vector<1x64xf32> -> vector<1x64xf32>
    %add3A_791 = arith.addf %broadcast_in_dim3A_775, %dot_general3A_790 : vector<1x64xf32>
    %mul3A_792 = arith.constant 8 : i32
    %mul3A_793 = arith.muli %add3A_773, %mul3A_792 : i32
    %add3A_794 = arith.constant 1 : i32
    %add3A_795 = arith.addi %mul3A_793, %add3A_794 : i32
    %get3A_796 = arith.index_cast %add3A_795 : i32 to index
    %get3A_797 = memref.load %arg2[%get3A_796] : memref<512xi32, #tpu.memory_space<smem>>
    %eq3A_798 = vector.broadcast %get3A_797 : i32 to vector<1x128xi32>
    %eq3A_799 = arith.cmpi eq, %iota3A, %eq3A_798 : vector<1x128xi32>
    %convert_element_type3A_800 = arith.extui %eq3A_799 : vector<1x128xi1> to vector<1x128xi32>
    %convert_element_type3A_801 = arith.sitofp %convert_element_type3A_800 : vector<1x128xi32> to vector<1x128xf32>
    %get3A_802 = arith.constant 0 : index
    %get3A_803 = arith.constant 0 : index
    %get3A_804 = vector.load %arg46[%get3A_802, %get3A_803] : memref<64x128xf32, #tpu.memory_space<vmem>>, vector<64x128xf32>
    %dot_general3A_805 = arith.constant dense<0.000000e+00> : vector<1x64xf32>
    %dot_general3A_806 = tpu.matmul %convert_element_type3A_801, %get3A_804, %dot_general3A_805 {dimension_numbers = #tpu.dot_dimension_numbers<[1], [1], [0], [0], [0, 0, 1, 0], [], []>, transpose_lhs_hint = false} : vector<1x128xf32>, vector<64x128xf32>, vector<1x64xf32> -> vector<1x64xf32>
    %add3A_807 = arith.addf %add3A_791, %dot_general3A_806 : vector<1x64xf32>
    %mul3A_808 = arith.constant 8 : i32
    %mul3A_809 = arith.muli %add3A_773, %mul3A_808 : i32
    %add3A_810 = arith.constant 2 : i32
    %add3A_811 = arith.addi %mul3A_809, %add3A_810 : i32
    %get3A_812 = arith.index_cast %add3A_811 : i32 to index
    %get3A_813 = memref.load %arg2[%get3A_812] : memref<512xi32, #tpu.memory_space<smem>>
    %eq3A_814 = vector.broadcast %get3A_813 : i32 to vector<1x128xi32>
    %eq3A_815 = arith.cmpi eq, %iota3A, %eq3A_814 : vector<1x128xi32>
    %convert_element_type3A_816 = arith.extui %eq3A_815 : vector<1x128xi1> to vector<1x128xi32>
    %convert_element_type3A_817 = arith.sitofp %convert_element_type3A_816 : vector<1x128xi32> to vector<1x128xf32>
    %get3A_818 = arith.constant 0 : index
    %get3A_819 = arith.constant 0 : index
    %get3A_820 = vector.load %arg47[%get3A_818, %get3A_819] : memref<64x128xf32, #tpu.memory_space<vmem>>, vector<64x128xf32>
    %dot_general3A_821 = arith.constant dense<0.000000e+00> : vector<1x64xf32>
    %dot_general3A_822 = tpu.matmul %convert_element_type3A_817, %get3A_820, %dot_general3A_821 {dimension_numbers = #tpu.dot_dimension_numbers<[1], [1], [0], [0], [0, 0, 1, 0], [], []>, transpose_lhs_hint = false} : vector<1x128xf32>, vector<64x128xf32>, vector<1x64xf32> -> vector<1x64xf32>
    %add3A_823 = arith.addf %add3A_807, %dot_general3A_822 : vector<1x64xf32>
    %mul3A_824 = arith.constant 8 : i32
    %mul3A_825 = arith.muli %add3A_773, %mul3A_824 : i32
    %add3A_826 = arith.constant 3 : i32
    %add3A_827 = arith.addi %mul3A_825, %add3A_826 : i32
    %get3A_828 = arith.index_cast %add3A_827 : i32 to index
    %get3A_829 = memref.load %arg2[%get3A_828] : memref<512xi32, #tpu.memory_space<smem>>
    %eq3A_830 = vector.broadcast %get3A_829 : i32 to vector<1x128xi32>
    %eq3A_831 = arith.cmpi eq, %iota3A, %eq3A_830 : vector<1x128xi32>
    %convert_element_type3A_832 = arith.extui %eq3A_831 : vector<1x128xi1> to vector<1x128xi32>
    %convert_element_type3A_833 = arith.sitofp %convert_element_type3A_832 : vector<1x128xi32> to vector<1x128xf32>
    %get3A_834 = arith.constant 0 : index
    %get3A_835 = arith.constant 0 : index
    %get3A_836 = vector.load %arg48[%get3A_834, %get3A_835] : memref<64x128xf32, #tpu.memory_space<vmem>>, vector<64x128xf32>
    %dot_general3A_837 = arith.constant dense<0.000000e+00> : vector<1x64xf32>
    %dot_general3A_838 = tpu.matmul %convert_element_type3A_833, %get3A_836, %dot_general3A_837 {dimension_numbers = #tpu.dot_dimension_numbers<[1], [1], [0], [0], [0, 0, 1, 0], [], []>, transpose_lhs_hint = false} : vector<1x128xf32>, vector<64x128xf32>, vector<1x64xf32> -> vector<1x64xf32>
    %add3A_839 = arith.addf %add3A_823, %dot_general3A_838 : vector<1x64xf32>
    %mul3A_840 = arith.constant 8 : i32
    %mul3A_841 = arith.muli %add3A_773, %mul3A_840 : i32
    %add3A_842 = arith.constant 4 : i32
    %add3A_843 = arith.addi %mul3A_841, %add3A_842 : i32
    %get3A_844 = arith.index_cast %add3A_843 : i32 to index
    %get3A_845 = memref.load %arg2[%get3A_844] : memref<512xi32, #tpu.memory_space<smem>>
    %eq3A_846 = vector.broadcast %get3A_845 : i32 to vector<1x128xi32>
    %eq3A_847 = arith.cmpi eq, %iota3A, %eq3A_846 : vector<1x128xi32>
    %convert_element_type3A_848 = arith.extui %eq3A_847 : vector<1x128xi1> to vector<1x128xi32>
    %convert_element_type3A_849 = arith.sitofp %convert_element_type3A_848 : vector<1x128xi32> to vector<1x128xf32>
    %get3A_850 = arith.constant 0 : index
    %get3A_851 = arith.constant 0 : index
    %get3A_852 = vector.load %arg49[%get3A_850, %get3A_851] : memref<64x128xf32, #tpu.memory_space<vmem>>, vector<64x128xf32>
    %dot_general3A_853 = arith.constant dense<0.000000e+00> : vector<1x64xf32>
    %dot_general3A_854 = tpu.matmul %convert_element_type3A_849, %get3A_852, %dot_general3A_853 {dimension_numbers = #tpu.dot_dimension_numbers<[1], [1], [0], [0], [0, 0, 1, 0], [], []>, transpose_lhs_hint = false} : vector<1x128xf32>, vector<64x128xf32>, vector<1x64xf32> -> vector<1x64xf32>
    %add3A_855 = arith.addf %add3A_839, %dot_general3A_854 : vector<1x64xf32>
    %mul3A_856 = arith.constant 8 : i32
    %mul3A_857 = arith.muli %add3A_773, %mul3A_856 : i32
    %add3A_858 = arith.constant 5 : i32
    %add3A_859 = arith.addi %mul3A_857, %add3A_858 : i32
    %get3A_860 = arith.index_cast %add3A_859 : i32 to index
    %get3A_861 = memref.load %arg2[%get3A_860] : memref<512xi32, #tpu.memory_space<smem>>
    %eq3A_862 = vector.broadcast %get3A_861 : i32 to vector<1x128xi32>
    %eq3A_863 = arith.cmpi eq, %iota3A, %eq3A_862 : vector<1x128xi32>
    %convert_element_type3A_864 = arith.extui %eq3A_863 : vector<1x128xi1> to vector<1x128xi32>
    %convert_element_type3A_865 = arith.sitofp %convert_element_type3A_864 : vector<1x128xi32> to vector<1x128xf32>
    %get3A_866 = arith.constant 0 : index
    %get3A_867 = arith.constant 0 : index
    %get3A_868 = vector.load %arg50[%get3A_866, %get3A_867] : memref<64x128xf32, #tpu.memory_space<vmem>>, vector<64x128xf32>
    %dot_general3A_869 = arith.constant dense<0.000000e+00> : vector<1x64xf32>
    %dot_general3A_870 = tpu.matmul %convert_element_type3A_865, %get3A_868, %dot_general3A_869 {dimension_numbers = #tpu.dot_dimension_numbers<[1], [1], [0], [0], [0, 0, 1, 0], [], []>, transpose_lhs_hint = false} : vector<1x128xf32>, vector<64x128xf32>, vector<1x64xf32> -> vector<1x64xf32>
    %add3A_871 = arith.addf %add3A_855, %dot_general3A_870 : vector<1x64xf32>
    %iota3A_872 = tpu.iota {dimensions = array<i32: 0>} : vector<64x64xi32>
    %eq3A_873 = vector.broadcast %add3A_773 : i32 to vector<64x64xi32>
    %eq3A_874 = arith.cmpi eq, %iota3A_872, %eq3A_873 : vector<64x64xi32>
    %broadcast_in_dim3A_875 = vector.shape_cast %add3A_871 : vector<1x64xf32> to vector<1x64xf32>
    %broadcast_in_dim3A_876 = vector.broadcast %broadcast_in_dim3A_875 : vector<1x64xf32> to vector<64x64xf32>
    %jit3A_877 = arith.constant 0.000000e+00 : f32
    %broadcast_in_dim3A_878 = vector.broadcast %jit3A_877 : f32 to vector<64x64xf32>
    %select_n3A_879 = arith.select %eq3A_874, %broadcast_in_dim3A_876, %broadcast_in_dim3A_878 : vector<64x64xi1>, vector<64x64xf32>
    %add3A_880 = arith.addf %add3A_769, %select_n3A_879 : vector<64x64xf32>
    %eq3A_881 = arith.constant 0 : i32
    %eq3A_882 = arith.cmpi eq, %arg0, %eq3A_881 : i32
    %convert_element_type3A_883 = arith.extui %eq3A_882 : i1 to i32
    %cond3A = arith.constant 0 : i32
    %cond3A_884 = arith.cmpi ne, %convert_element_type3A_883, %cond3A : i32
    scf.if %cond3A_884 {
      %swap3A = arith.constant 0 : index
      %swap3A_894 = arith.constant 0 : index
      %swap3A_895 = vector.load %arg53[%swap3A, %swap3A_894] : memref<64x64xf32, #tpu.memory_space<vmem>>, vector<64x64xf32>
      tpu.vector_store %arg53[%swap3A, %swap3A_894], %add3A_880 {strides = array<i32>} : memref<64x64xf32, #tpu.memory_space<vmem>>, vector<64x64xf32>,
    } else {
    }
    %gt3A = arith.constant 0 : i32
    %gt3A_885 = arith.cmpi sgt, %arg0, %gt3A : i32
    %convert_element_type3A_886 = arith.extui %gt3A_885 : i1 to i32
    %cond3A_887 = arith.constant 0 : i32
    %cond3A_888 = arith.cmpi ne, %convert_element_type3A_886, %cond3A_887 : i32
    scf.if %cond3A_888 {
      %get3A_894 = arith.constant 0 : index
      %get3A_895 = arith.constant 0 : index
      %get3A_896 = vector.load %arg53[%get3A_894, %get3A_895] : memref<64x64xf32, #tpu.memory_space<vmem>>, vector<64x64xf32>
      %add3A_897 = arith.addf %get3A_896, %add3A_880 : vector<64x64xf32>
      %swap3A = arith.constant 0 : index
      %swap3A_898 = arith.constant 0 : index
      %swap3A_899 = vector.load %arg53[%swap3A, %swap3A_898] : memref<64x64xf32, #tpu.memory_space<vmem>>, vector<64x64xf32>
      tpu.vector_store %arg53[%swap3A, %swap3A_898], %add3A_897 {strides = array<i32>} : memref<64x64xf32, #tpu.memory_space<vmem>>, vector<64x64xf32>,
    } else {
    }
    %eq3A_889 = arith.constant 7 : i32
    %eq3A_890 = arith.cmpi eq, %arg0, %eq3A_889 : i32
    %convert_element_type3A_891 = arith.extui %eq3A_890 : i1 to i32
    %cond3A_892 = arith.constant 0 : i32
    %cond3A_893 = arith.cmpi ne, %convert_element_type3A_891, %cond3A_892 : i32
    scf.if %cond3A_893 {
      %get3A_894 = arith.constant 0 : index
      %get3A_895 = arith.constant 0 : index
      %get3A_896 = vector.load %arg53[%get3A_894, %get3A_895] : memref<64x64xf32, #tpu.memory_space<vmem>>, vector<64x64xf32>
      %get3A_897 = arith.constant 0 : index
      %get3A_898 = arith.constant 0 : index
      %get3A_899 = vector.load %arg51[%get3A_897, %get3A_898] : memref<64x64xf32, #tpu.memory_space<vmem>>, vector<64x64xf32>
      %div3A = arith.divf %get3A_896, %get3A_899 : vector<64x64xf32>
      %swap3A = arith.constant 0 : index
      %swap3A_900 = arith.constant 0 : index
      %swap3A_901 = vector.load %arg52[%swap3A, %swap3A_900] : memref<64x64xf32, #tpu.memory_space<vmem>>, vector<64x64xf32>
      tpu.vector_store %arg52[%swap3A, %swap3A_900], %div3A {strides = array<i32>} : memref<64x64xf32, #tpu.memory_space<vmem>>, vector<64x64xf32>,
    } else {
    }
    return
  }
  func.func @transform_0(%arg0: i32, %arg1: memref<512xi32, #tpu.memory_space<smem>>, %arg2: memref<512xi32, #tpu.memory_space<smem>>) -> (i32, i32) {
    %mul3A = arith.constant 8 : i32
    %mul3A_0 = arith.muli %arg0, %mul3A : i32
    %add3A = arith.constant 0 : i32
    %add3A_1 = arith.addi %mul3A_0, %add3A : i32
    %mul3A_2 = arith.constant 8 : i32
    %mul3A_3 = arith.muli %add3A_1, %mul3A_2 : i32
    %add3A_4 = arith.constant 0 : i32
    %add3A_5 = arith.addi %mul3A_3, %add3A_4 : i32
    %get3A = arith.index_cast %add3A_5 : i32 to index
    %get3A_6 = memref.load %arg1[%get3A] : memref<512xi32, #tpu.memory_space<smem>>
    %c0_i32 = arith.constant 0 : i32
    %c0_i32_7 = arith.constant 0 : i32
    return %c0_i32, %get3A_6 : i32, i32
  }
  func.func @transform_1(%arg0: i32, %arg1: memref<512xi32, #tpu.memory_space<smem>>, %arg2: memref<512xi32, #tpu.memory_space<smem>>) -> (i32, i32) {
    %mul3A = arith.constant 8 : i32
    %mul3A_0 = arith.muli %arg0, %mul3A : i32
    %add3A = arith.constant 0 : i32
    %add3A_1 = arith.addi %mul3A_0, %add3A : i32
    %mul3A_2 = arith.constant 8 : i32
    %mul3A_3 = arith.muli %add3A_1, %mul3A_2 : i32
    %add3A_4 = arith.constant 1 : i32
    %add3A_5 = arith.addi %mul3A_3, %add3A_4 : i32
    %get3A = arith.index_cast %add3A_5 : i32 to index
    %get3A_6 = memref.load %arg1[%get3A] : memref<512xi32, #tpu.memory_space<smem>>
    %c0_i32 = arith.constant 0 : i32
    %c0_i32_7 = arith.constant 0 : i32
    return %c0_i32, %get3A_6 : i32, i32
  }
  func.func @transform_2(%arg0: i32, %arg1: memref<512xi32, #tpu.memory_space<smem>>, %arg2: memref<512xi32, #tpu.memory_space<smem>>) -> (i32, i32) {
    %mul3A = arith.constant 8 : i32
    %mul3A_0 = arith.muli %arg0, %mul3A : i32
    %add3A = arith.constant 0 : i32
    %add3A_1 = arith.addi %mul3A_0, %add3A : i32
    %mul3A_2 = arith.constant 8 : i32
    %mul3A_3 = arith.muli %add3A_1, %mul3A_2 : i32
    %add3A_4 = arith.constant 2 : i32
    %add3A_5 = arith.addi %mul3A_3, %add3A_4 : i32
    %get3A = arith.index_cast %add3A_5 : i32 to index
    %get3A_6 = memref.load %arg1[%get3A] : memref<512xi32, #tpu.memory_space<smem>>
    %c0_i32 = arith.constant 0 : i32
    %c0_i32_7 = arith.constant 0 : i32
    return %c0_i32, %get3A_6 : i32, i32
  }
  func.func @transform_3(%arg0: i32, %arg1: memref<512xi32, #tpu.memory_space<smem>>, %arg2: memref<512xi32, #tpu.memory_space<smem>>) -> (i32, i32) {
    %mul3A = arith.constant 8 : i32
    %mul3A_0 = arith.muli %arg0, %mul3A : i32
    %add3A = arith.constant 0 : i32
    %add3A_1 = arith.addi %mul3A_0, %add3A : i32
    %mul3A_2 = arith.constant 8 : i32
    %mul3A_3 = arith.muli %add3A_1, %mul3A_2 : i32
    %add3A_4 = arith.constant 3 : i32
    %add3A_5 = arith.addi %mul3A_3, %add3A_4 : i32
    %get3A = arith.index_cast %add3A_5 : i32 to index
    %get3A_6 = memref.load %arg1[%get3A] : memref<512xi32, #tpu.memory_space<smem>>
    %c0_i32 = arith.constant 0 : i32
    %c0_i32_7 = arith.constant 0 : i32
    return %c0_i32, %get3A_6 : i32, i32
  }
  func.func @transform_4(%arg0: i32, %arg1: memref<512xi32, #tpu.memory_space<smem>>, %arg2: memref<512xi32, #tpu.memory_space<smem>>) -> (i32, i32) {
    %mul3A = arith.constant 8 : i32
    %mul3A_0 = arith.muli %arg0, %mul3A : i32
    %add3A = arith.constant 0 : i32
    %add3A_1 = arith.addi %mul3A_0, %add3A : i32
    %mul3A_2 = arith.constant 8 : i32
    %mul3A_3 = arith.muli %add3A_1, %mul3A_2 : i32
    %add3A_4 = arith.constant 4 : i32
    %add3A_5 = arith.addi %mul3A_3, %add3A_4 : i32
    %get3A = arith.index_cast %add3A_5 : i32 to index
    %get3A_6 = memref.load %arg1[%get3A] : memref<512xi32, #tpu.memory_space<smem>>
    %c0_i32 = arith.constant 0 : i32
    %c0_i32_7 = arith.constant 0 : i32
    return %c0_i32, %get3A_6 : i32, i32
  }
  func.func @transform_5(%arg0: i32, %arg1: memref<512xi32, #tpu.memory_space<smem>>, %arg2: memref<512xi32, #tpu.memory_space<smem>>) -> (i32, i32) {
    %mul3A = arith.constant 8 : i32
    %mul3A_0 = arith.muli %arg0, %mul3A : i32
    %add3A = arith.constant 0 : i32
    %add3A_1 = arith.addi %mul3A_0, %add3A : i32
    %mul3A_2 = arith.constant 8 : i32
    %mul3A_3 = arith.muli %add3A_1, %mul3A_2 : i32
    %add3A_4 = arith.constant 5 : i32
    %add3A_5 = arith.addi %mul3A_3, %add3A_4 : i32
    %get3A = arith.index_cast %add3A_5 : i32 to index
    %get3A_6 = memref.load %arg1[%get3A] : memref<512xi32, #tpu.memory_space<smem>>
    %c0_i32 = arith.constant 0 : i32
    %c0_i32_7 = arith.constant 0 : i32
    return %c0_i32, %get3A_6 : i32, i32
  }
  func.func @transform_6(%arg0: i32, %arg1: memref<512xi32, #tpu.memory_space<smem>>, %arg2: memref<512xi32, #tpu.memory_space<smem>>) -> (i32, i32) {
    %mul3A = arith.constant 8 : i32
    %mul3A_0 = arith.muli %arg0, %mul3A : i32
    %add3A = arith.constant 1 : i32
    %add3A_1 = arith.addi %mul3A_0, %add3A : i32
    %mul3A_2 = arith.constant 8 : i32
    %mul3A_3 = arith.muli %add3A_1, %mul3A_2 : i32
    %add3A_4 = arith.constant 0 : i32
    %add3A_5 = arith.addi %mul3A_3, %add3A_4 : i32
    %get3A = arith.index_cast %add3A_5 : i32 to index
    %get3A_6 = memref.load %arg1[%get3A] : memref<512xi32, #tpu.memory_space<smem>>
    %c0_i32 = arith.constant 0 : i32
    %c0_i32_7 = arith.constant 0 : i32
    return %c0_i32, %get3A_6 : i32, i32
  }
  func.func @transform_7(%arg0: i32, %arg1: memref<512xi32, #tpu.memory_space<smem>>, %arg2: memref<512xi32, #tpu.memory_space<smem>>) -> (i32, i32) {
    %mul3A = arith.constant 8 : i32
    %mul3A_0 = arith.muli %arg0, %mul3A : i32
    %add3A = arith.constant 1 : i32
    %add3A_1 = arith.addi %mul3A_0, %add3A : i32
    %mul3A_2 = arith.constant 8 : i32
    %mul3A_3 = arith.muli %add3A_1, %mul3A_2 : i32
    %add3A_4 = arith.constant 1 : i32
    %add3A_5 = arith.addi %mul3A_3, %add3A_4 : i32
    %get3A = arith.index_cast %add3A_5 : i32 to index
    %get3A_6 = memref.load %arg1[%get3A] : memref<512xi32, #tpu.memory_space<smem>>
    %c0_i32 = arith.constant 0 : i32
    %c0_i32_7 = arith.constant 0 : i32
    return %c0_i32, %get3A_6 : i32, i32
  }
  func.func @transform_8(%arg0: i32, %arg1: memref<512xi32, #tpu.memory_space<smem>>, %arg2: memref<512xi32, #tpu.memory_space<smem>>) -> (i32, i32) {
    %mul3A = arith.constant 8 : i32
    %mul3A_0 = arith.muli %arg0, %mul3A : i32
    %add3A = arith.constant 1 : i32
    %add3A_1 = arith.addi %mul3A_0, %add3A : i32
    %mul3A_2 = arith.constant 8 : i32
    %mul3A_3 = arith.muli %add3A_1, %mul3A_2 : i32
    %add3A_4 = arith.constant 2 : i32
    %add3A_5 = arith.addi %mul3A_3, %add3A_4 : i32
    %get3A = arith.index_cast %add3A_5 : i32 to index
    %get3A_6 = memref.load %arg1[%get3A] : memref<512xi32, #tpu.memory_space<smem>>
    %c0_i32 = arith.constant 0 : i32
    %c0_i32_7 = arith.constant 0 : i32
    return %c0_i32, %get3A_6 : i32, i32
  }
  func.func @transform_9(%arg0: i32, %arg1: memref<512xi32, #tpu.memory_space<smem>>, %arg2: memref<512xi32, #tpu.memory_space<smem>>) -> (i32, i32) {
    %mul3A = arith.constant 8 : i32
    %mul3A_0 = arith.muli %arg0, %mul3A : i32
    %add3A = arith.constant 1 : i32
    %add3A_1 = arith.addi %mul3A_0, %add3A : i32
    %mul3A_2 = arith.constant 8 : i32
    %mul3A_3 = arith.muli %add3A_1, %mul3A_2 : i32
    %add3A_4 = arith.constant 3 : i32
    %add3A_5 = arith.addi %mul3A_3, %add3A_4 : i32
    %get3A = arith.index_cast %add3A_5 : i32 to index
    %get3A_6 = memref.load %arg1[%get3A] : memref<512xi32, #tpu.memory_space<smem>>
    %c0_i32 = arith.constant 0 : i32
    %c0_i32_7 = arith.constant 0 : i32
    return %c0_i32, %get3A_6 : i32, i32
  }
  func.func @transform_10(%arg0: i32, %arg1: memref<512xi32, #tpu.memory_space<smem>>, %arg2: memref<512xi32, #tpu.memory_space<smem>>) -> (i32, i32) {
    %mul3A = arith.constant 8 : i32
    %mul3A_0 = arith.muli %arg0, %mul3A : i32
    %add3A = arith.constant 1 : i32
    %add3A_1 = arith.addi %mul3A_0, %add3A : i32
    %mul3A_2 = arith.constant 8 : i32
    %mul3A_3 = arith.muli %add3A_1, %mul3A_2 : i32
    %add3A_4 = arith.constant 4 : i32
    %add3A_5 = arith.addi %mul3A_3, %add3A_4 : i32
    %get3A = arith.index_cast %add3A_5 : i32 to index
    %get3A_6 = memref.load %arg1[%get3A] : memref<512xi32, #tpu.memory_space<smem>>
    %c0_i32 = arith.constant 0 : i32
    %c0_i32_7 = arith.constant 0 : i32
    return %c0_i32, %get3A_6 : i32, i32
  }
  func.func @transform_11(%arg0: i32, %arg1: memref<512xi32, #tpu.memory_space<smem>>, %arg2: memref<512xi32, #tpu.memory_space<smem>>) -> (i32, i32) {
    %mul3A = arith.constant 8 : i32
    %mul3A_0 = arith.muli %arg0, %mul3A : i32
    %add3A = arith.constant 1 : i32
    %add3A_1 = arith.addi %mul3A_0, %add3A : i32
    %mul3A_2 = arith.constant 8 : i32
    %mul3A_3 = arith.muli %add3A_1, %mul3A_2 : i32
    %add3A_4 = arith.constant 5 : i32
    %add3A_5 = arith.addi %mul3A_3, %add3A_4 : i32
    %get3A = arith.index_cast %add3A_5 : i32 to index
    %get3A_6 = memref.load %arg1[%get3A] : memref<512xi32, #tpu.memory_space<smem>>
    %c0_i32 = arith.constant 0 : i32
    %c0_i32_7 = arith.constant 0 : i32
    return %c0_i32, %get3A_6 : i32, i32
  }
  func.func @transform_12(%arg0: i32, %arg1: memref<512xi32, #tpu.memory_space<smem>>, %arg2: memref<512xi32, #tpu.memory_space<smem>>) -> (i32, i32) {
    %mul3A = arith.constant 8 : i32
    %mul3A_0 = arith.muli %arg0, %mul3A : i32
    %add3A = arith.constant 2 : i32
    %add3A_1 = arith.addi %mul3A_0, %add3A : i32
    %mul3A_2 = arith.constant 8 : i32
    %mul3A_3 = arith.muli %add3A_1, %mul3A_2 : i32
    %add3A_4 = arith.constant 0 : i32
    %add3A_5 = arith.addi %mul3A_3, %add3A_4 : i32
    %get3A = arith.index_cast %add3A_5 : i32 to index
    %get3A_6 = memref.load %arg1[%get3A] : memref<512xi32, #tpu.memory_space<smem>>
    %c0_i32 = arith.constant 0 : i32
    %c0_i32_7 = arith.constant 0 : i32
    return %c0_i32, %get3A_6 : i32, i32
  }
  func.func @transform_13(%arg0: i32, %arg1: memref<512xi32, #tpu.memory_space<smem>>, %arg2: memref<512xi32, #tpu.memory_space<smem>>) -> (i32, i32) {
    %mul3A = arith.constant 8 : i32
    %mul3A_0 = arith.muli %arg0, %mul3A : i32
    %add3A = arith.constant 2 : i32
    %add3A_1 = arith.addi %mul3A_0, %add3A : i32
    %mul3A_2 = arith.constant 8 : i32
    %mul3A_3 = arith.muli %add3A_1, %mul3A_2 : i32
    %add3A_4 = arith.constant 1 : i32
    %add3A_5 = arith.addi %mul3A_3, %add3A_4 : i32
    %get3A = arith.index_cast %add3A_5 : i32 to index
    %get3A_6 = memref.load %arg1[%get3A] : memref<512xi32, #tpu.memory_space<smem>>
    %c0_i32 = arith.constant 0 : i32
    %c0_i32_7 = arith.constant 0 : i32
    return %c0_i32, %get3A_6 : i32, i32
  }
  func.func @transform_14(%arg0: i32, %arg1: memref<512xi32, #tpu.memory_space<smem>>, %arg2: memref<512xi32, #tpu.memory_space<smem>>) -> (i32, i32) {
    %mul3A = arith.constant 8 : i32
    %mul3A_0 = arith.muli %arg0, %mul3A : i32
    %add3A = arith.constant 2 : i32
    %add3A_1 = arith.addi %mul3A_0, %add3A : i32
    %mul3A_2 = arith.constant 8 : i32
    %mul3A_3 = arith.muli %add3A_1, %mul3A_2 : i32
    %add3A_4 = arith.constant 2 : i32
    %add3A_5 = arith.addi %mul3A_3, %add3A_4 : i32
    %get3A = arith.index_cast %add3A_5 : i32 to index
    %get3A_6 = memref.load %arg1[%get3A] : memref<512xi32, #tpu.memory_space<smem>>
    %c0_i32 = arith.constant 0 : i32
    %c0_i32_7 = arith.constant 0 : i32
    return %c0_i32, %get3A_6 : i32, i32
  }
  func.func @transform_15(%arg0: i32, %arg1: memref<512xi32, #tpu.memory_space<smem>>, %arg2: memref<512xi32, #tpu.memory_space<smem>>) -> (i32, i32) {
    %mul3A = arith.constant 8 : i32
    %mul3A_0 = arith.muli %arg0, %mul3A : i32
    %add3A = arith.constant 2 : i32
    %add3A_1 = arith.addi %mul3A_0, %add3A : i32
    %mul3A_2 = arith.constant 8 : i32
    %mul3A_3 = arith.muli %add3A_1, %mul3A_2 : i32
    %add3A_4 = arith.constant 3 : i32
    %add3A_5 = arith.addi %mul3A_3, %add3A_4 : i32
    %get3A = arith.index_cast %add3A_5 : i32 to index
    %get3A_6 = memref.load %arg1[%get3A] : memref<512xi32, #tpu.memory_space<smem>>
    %c0_i32 = arith.constant 0 : i32
    %c0_i32_7 = arith.constant 0 : i32
    return %c0_i32, %get3A_6 : i32, i32
  }
  func.func @transform_16(%arg0: i32, %arg1: memref<512xi32, #tpu.memory_space<smem>>, %arg2: memref<512xi32, #tpu.memory_space<smem>>) -> (i32, i32) {
    %mul3A = arith.constant 8 : i32
    %mul3A_0 = arith.muli %arg0, %mul3A : i32
    %add3A = arith.constant 2 : i32
    %add3A_1 = arith.addi %mul3A_0, %add3A : i32
    %mul3A_2 = arith.constant 8 : i32
    %mul3A_3 = arith.muli %add3A_1, %mul3A_2 : i32
    %add3A_4 = arith.constant 4 : i32
    %add3A_5 = arith.addi %mul3A_3, %add3A_4 : i32
    %get3A = arith.index_cast %add3A_5 : i32 to index
    %get3A_6 = memref.load %arg1[%get3A] : memref<512xi32, #tpu.memory_space<smem>>
    %c0_i32 = arith.constant 0 : i32
    %c0_i32_7 = arith.constant 0 : i32
    return %c0_i32, %get3A_6 : i32, i32
  }
  func.func @transform_17(%arg0: i32, %arg1: memref<512xi32, #tpu.memory_space<smem>>, %arg2: memref<512xi32, #tpu.memory_space<smem>>) -> (i32, i32) {
    %mul3A = arith.constant 8 : i32
    %mul3A_0 = arith.muli %arg0, %mul3A : i32
    %add3A = arith.constant 2 : i32
    %add3A_1 = arith.addi %mul3A_0, %add3A : i32
    %mul3A_2 = arith.constant 8 : i32
    %mul3A_3 = arith.muli %add3A_1, %mul3A_2 : i32
    %add3A_4 = arith.constant 5 : i32
    %add3A_5 = arith.addi %mul3A_3, %add3A_4 : i32
    %get3A = arith.index_cast %add3A_5 : i32 to index
    %get3A_6 = memref.load %arg1[%get3A] : memref<512xi32, #tpu.memory_space<smem>>
    %c0_i32 = arith.constant 0 : i32
    %c0_i32_7 = arith.constant 0 : i32
    return %c0_i32, %get3A_6 : i32, i32
  }
  func.func @transform_18(%arg0: i32, %arg1: memref<512xi32, #tpu.memory_space<smem>>, %arg2: memref<512xi32, #tpu.memory_space<smem>>) -> (i32, i32) {
    %mul3A = arith.constant 8 : i32
    %mul3A_0 = arith.muli %arg0, %mul3A : i32
    %add3A = arith.constant 3 : i32
    %add3A_1 = arith.addi %mul3A_0, %add3A : i32
    %mul3A_2 = arith.constant 8 : i32
    %mul3A_3 = arith.muli %add3A_1, %mul3A_2 : i32
    %add3A_4 = arith.constant 0 : i32
    %add3A_5 = arith.addi %mul3A_3, %add3A_4 : i32
    %get3A = arith.index_cast %add3A_5 : i32 to index
    %get3A_6 = memref.load %arg1[%get3A] : memref<512xi32, #tpu.memory_space<smem>>
    %c0_i32 = arith.constant 0 : i32
    %c0_i32_7 = arith.constant 0 : i32
    return %c0_i32, %get3A_6 : i32, i32
  }
  func.func @transform_19(%arg0: i32, %arg1: memref<512xi32, #tpu.memory_space<smem>>, %arg2: memref<512xi32, #tpu.memory_space<smem>>) -> (i32, i32) {
    %mul3A = arith.constant 8 : i32
    %mul3A_0 = arith.muli %arg0, %mul3A : i32
    %add3A = arith.constant 3 : i32
    %add3A_1 = arith.addi %mul3A_0, %add3A : i32
    %mul3A_2 = arith.constant 8 : i32
    %mul3A_3 = arith.muli %add3A_1, %mul3A_2 : i32
    %add3A_4 = arith.constant 1 : i32
    %add3A_5 = arith.addi %mul3A_3, %add3A_4 : i32
    %get3A = arith.index_cast %add3A_5 : i32 to index
    %get3A_6 = memref.load %arg1[%get3A] : memref<512xi32, #tpu.memory_space<smem>>
    %c0_i32 = arith.constant 0 : i32
    %c0_i32_7 = arith.constant 0 : i32
    return %c0_i32, %get3A_6 : i32, i32
  }
  func.func @transform_20(%arg0: i32, %arg1: memref<512xi32, #tpu.memory_space<smem>>, %arg2: memref<512xi32, #tpu.memory_space<smem>>) -> (i32, i32) {
    %mul3A = arith.constant 8 : i32
    %mul3A_0 = arith.muli %arg0, %mul3A : i32
    %add3A = arith.constant 3 : i32
    %add3A_1 = arith.addi %mul3A_0, %add3A : i32
    %mul3A_2 = arith.constant 8 : i32
    %mul3A_3 = arith.muli %add3A_1, %mul3A_2 : i32
    %add3A_4 = arith.constant 2 : i32
    %add3A_5 = arith.addi %mul3A_3, %add3A_4 : i32
    %get3A = arith.index_cast %add3A_5 : i32 to index
    %get3A_6 = memref.load %arg1[%get3A] : memref<512xi32, #tpu.memory_space<smem>>
    %c0_i32 = arith.constant 0 : i32
    %c0_i32_7 = arith.constant 0 : i32
    return %c0_i32, %get3A_6 : i32, i32
  }
  func.func @transform_21(%arg0: i32, %arg1: memref<512xi32, #tpu.memory_space<smem>>, %arg2: memref<512xi32, #tpu.memory_space<smem>>) -> (i32, i32) {
    %mul3A = arith.constant 8 : i32
    %mul3A_0 = arith.muli %arg0, %mul3A : i32
    %add3A = arith.constant 3 : i32
    %add3A_1 = arith.addi %mul3A_0, %add3A : i32
    %mul3A_2 = arith.constant 8 : i32
    %mul3A_3 = arith.muli %add3A_1, %mul3A_2 : i32
    %add3A_4 = arith.constant 3 : i32
    %add3A_5 = arith.addi %mul3A_3, %add3A_4 : i32
    %get3A = arith.index_cast %add3A_5 : i32 to index
    %get3A_6 = memref.load %arg1[%get3A] : memref<512xi32, #tpu.memory_space<smem>>
    %c0_i32 = arith.constant 0 : i32
    %c0_i32_7 = arith.constant 0 : i32
    return %c0_i32, %get3A_6 : i32, i32
  }
  func.func @transform_22(%arg0: i32, %arg1: memref<512xi32, #tpu.memory_space<smem>>, %arg2: memref<512xi32, #tpu.memory_space<smem>>) -> (i32, i32) {
    %mul3A = arith.constant 8 : i32
    %mul3A_0 = arith.muli %arg0, %mul3A : i32
    %add3A = arith.constant 3 : i32
    %add3A_1 = arith.addi %mul3A_0, %add3A : i32
    %mul3A_2 = arith.constant 8 : i32
    %mul3A_3 = arith.muli %add3A_1, %mul3A_2 : i32
    %add3A_4 = arith.constant 4 : i32
    %add3A_5 = arith.addi %mul3A_3, %add3A_4 : i32
    %get3A = arith.index_cast %add3A_5 : i32 to index
    %get3A_6 = memref.load %arg1[%get3A] : memref<512xi32, #tpu.memory_space<smem>>
    %c0_i32 = arith.constant 0 : i32
    %c0_i32_7 = arith.constant 0 : i32
    return %c0_i32, %get3A_6 : i32, i32
  }
  func.func @transform_23(%arg0: i32, %arg1: memref<512xi32, #tpu.memory_space<smem>>, %arg2: memref<512xi32, #tpu.memory_space<smem>>) -> (i32, i32) {
    %mul3A = arith.constant 8 : i32
    %mul3A_0 = arith.muli %arg0, %mul3A : i32
    %add3A = arith.constant 3 : i32
    %add3A_1 = arith.addi %mul3A_0, %add3A : i32
    %mul3A_2 = arith.constant 8 : i32
    %mul3A_3 = arith.muli %add3A_1, %mul3A_2 : i32
    %add3A_4 = arith.constant 5 : i32
    %add3A_5 = arith.addi %mul3A_3, %add3A_4 : i32
    %get3A = arith.index_cast %add3A_5 : i32 to index
    %get3A_6 = memref.load %arg1[%get3A] : memref<512xi32, #tpu.memory_space<smem>>
    %c0_i32 = arith.constant 0 : i32
    %c0_i32_7 = arith.constant 0 : i32
    return %c0_i32, %get3A_6 : i32, i32
  }
  func.func @transform_24(%arg0: i32, %arg1: memref<512xi32, #tpu.memory_space<smem>>, %arg2: memref<512xi32, #tpu.memory_space<smem>>) -> (i32, i32) {
    %mul3A = arith.constant 8 : i32
    %mul3A_0 = arith.muli %arg0, %mul3A : i32
    %add3A = arith.constant 4 : i32
    %add3A_1 = arith.addi %mul3A_0, %add3A : i32
    %mul3A_2 = arith.constant 8 : i32
    %mul3A_3 = arith.muli %add3A_1, %mul3A_2 : i32
    %add3A_4 = arith.constant 0 : i32
    %add3A_5 = arith.addi %mul3A_3, %add3A_4 : i32
    %get3A = arith.index_cast %add3A_5 : i32 to index
    %get3A_6 = memref.load %arg1[%get3A] : memref<512xi32, #tpu.memory_space<smem>>
    %c0_i32 = arith.constant 0 : i32
    %c0_i32_7 = arith.constant 0 : i32
    return %c0_i32, %get3A_6 : i32, i32
  }
  func.func @transform_25(%arg0: i32, %arg1: memref<512xi32, #tpu.memory_space<smem>>, %arg2: memref<512xi32, #tpu.memory_space<smem>>) -> (i32, i32) {
    %mul3A = arith.constant 8 : i32
    %mul3A_0 = arith.muli %arg0, %mul3A : i32
    %add3A = arith.constant 4 : i32
    %add3A_1 = arith.addi %mul3A_0, %add3A : i32
    %mul3A_2 = arith.constant 8 : i32
    %mul3A_3 = arith.muli %add3A_1, %mul3A_2 : i32
    %add3A_4 = arith.constant 1 : i32
    %add3A_5 = arith.addi %mul3A_3, %add3A_4 : i32
    %get3A = arith.index_cast %add3A_5 : i32 to index
    %get3A_6 = memref.load %arg1[%get3A] : memref<512xi32, #tpu.memory_space<smem>>
    %c0_i32 = arith.constant 0 : i32
    %c0_i32_7 = arith.constant 0 : i32
    return %c0_i32, %get3A_6 : i32, i32
  }
  func.func @transform_26(%arg0: i32, %arg1: memref<512xi32, #tpu.memory_space<smem>>, %arg2: memref<512xi32, #tpu.memory_space<smem>>) -> (i32, i32) {
    %mul3A = arith.constant 8 : i32
    %mul3A_0 = arith.muli %arg0, %mul3A : i32
    %add3A = arith.constant 4 : i32
    %add3A_1 = arith.addi %mul3A_0, %add3A : i32
    %mul3A_2 = arith.constant 8 : i32
    %mul3A_3 = arith.muli %add3A_1, %mul3A_2 : i32
    %add3A_4 = arith.constant 2 : i32
    %add3A_5 = arith.addi %mul3A_3, %add3A_4 : i32
    %get3A = arith.index_cast %add3A_5 : i32 to index
    %get3A_6 = memref.load %arg1[%get3A] : memref<512xi32, #tpu.memory_space<smem>>
    %c0_i32 = arith.constant 0 : i32
    %c0_i32_7 = arith.constant 0 : i32
    return %c0_i32, %get3A_6 : i32, i32
  }
  func.func @transform_27(%arg0: i32, %arg1: memref<512xi32, #tpu.memory_space<smem>>, %arg2: memref<512xi32, #tpu.memory_space<smem>>) -> (i32, i32) {
    %mul3A = arith.constant 8 : i32
    %mul3A_0 = arith.muli %arg0, %mul3A : i32
    %add3A = arith.constant 4 : i32
    %add3A_1 = arith.addi %mul3A_0, %add3A : i32
    %mul3A_2 = arith.constant 8 : i32
    %mul3A_3 = arith.muli %add3A_1, %mul3A_2 : i32
    %add3A_4 = arith.constant 3 : i32
    %add3A_5 = arith.addi %mul3A_3, %add3A_4 : i32
    %get3A = arith.index_cast %add3A_5 : i32 to index
    %get3A_6 = memref.load %arg1[%get3A] : memref<512xi32, #tpu.memory_space<smem>>
    %c0_i32 = arith.constant 0 : i32
    %c0_i32_7 = arith.constant 0 : i32
    return %c0_i32, %get3A_6 : i32, i32
  }
  func.func @transform_28(%arg0: i32, %arg1: memref<512xi32, #tpu.memory_space<smem>>, %arg2: memref<512xi32, #tpu.memory_space<smem>>) -> (i32, i32) {
    %mul3A = arith.constant 8 : i32
    %mul3A_0 = arith.muli %arg0, %mul3A : i32
    %add3A = arith.constant 4 : i32
    %add3A_1 = arith.addi %mul3A_0, %add3A : i32
    %mul3A_2 = arith.constant 8 : i32
    %mul3A_3 = arith.muli %add3A_1, %mul3A_2 : i32
    %add3A_4 = arith.constant 4 : i32
    %add3A_5 = arith.addi %mul3A_3, %add3A_4 : i32
    %get3A = arith.index_cast %add3A_5 : i32 to index
    %get3A_6 = memref.load %arg1[%get3A] : memref<512xi32, #tpu.memory_space<smem>>
    %c0_i32 = arith.constant 0 : i32
    %c0_i32_7 = arith.constant 0 : i32
    return %c0_i32, %get3A_6 : i32, i32
  }
  func.func @transform_29(%arg0: i32, %arg1: memref<512xi32, #tpu.memory_space<smem>>, %arg2: memref<512xi32, #tpu.memory_space<smem>>) -> (i32, i32) {
    %mul3A = arith.constant 8 : i32
    %mul3A_0 = arith.muli %arg0, %mul3A : i32
    %add3A = arith.constant 4 : i32
    %add3A_1 = arith.addi %mul3A_0, %add3A : i32
    %mul3A_2 = arith.constant 8 : i32
    %mul3A_3 = arith.muli %add3A_1, %mul3A_2 : i32
    %add3A_4 = arith.constant 5 : i32
    %add3A_5 = arith.addi %mul3A_3, %add3A_4 : i32
    %get3A = arith.index_cast %add3A_5 : i32 to index
    %get3A_6 = memref.load %arg1[%get3A] : memref<512xi32, #tpu.memory_space<smem>>
    %c0_i32 = arith.constant 0 : i32
    %c0_i32_7 = arith.constant 0 : i32
    return %c0_i32, %get3A_6 : i32, i32
  }
  func.func @transform_30(%arg0: i32, %arg1: memref<512xi32, #tpu.memory_space<smem>>, %arg2: memref<512xi32, #tpu.memory_space<smem>>) -> (i32, i32) {
    %mul3A = arith.constant 8 : i32
    %mul3A_0 = arith.muli %arg0, %mul3A : i32
    %add3A = arith.constant 5 : i32
    %add3A_1 = arith.addi %mul3A_0, %add3A : i32
    %mul3A_2 = arith.constant 8 : i32
    %mul3A_3 = arith.muli %add3A_1, %mul3A_2 : i32
    %add3A_4 = arith.constant 0 : i32
    %add3A_5 = arith.addi %mul3A_3, %add3A_4 : i32
    %get3A = arith.index_cast %add3A_5 : i32 to index
    %get3A_6 = memref.load %arg1[%get3A] : memref<512xi32, #tpu.memory_space<smem>>
    %c0_i32 = arith.constant 0 : i32
    %c0_i32_7 = arith.constant 0 : i32
    return %c0_i32, %get3A_6 : i32, i32
  }
  func.func @transform_31(%arg0: i32, %arg1: memref<512xi32, #tpu.memory_space<smem>>, %arg2: memref<512xi32, #tpu.memory_space<smem>>) -> (i32, i32) {
    %mul3A = arith.constant 8 : i32
    %mul3A_0 = arith.muli %arg0, %mul3A : i32
    %add3A = arith.constant 5 : i32
    %add3A_1 = arith.addi %mul3A_0, %add3A : i32
    %mul3A_2 = arith.constant 8 : i32
    %mul3A_3 = arith.muli %add3A_1, %mul3A_2 : i32
    %add3A_4 = arith.constant 1 : i32
    %add3A_5 = arith.addi %mul3A_3, %add3A_4 : i32
    %get3A = arith.index_cast %add3A_5 : i32 to index
    %get3A_6 = memref.load %arg1[%get3A] : memref<512xi32, #tpu.memory_space<smem>>
    %c0_i32 = arith.constant 0 : i32
    %c0_i32_7 = arith.constant 0 : i32
    return %c0_i32, %get3A_6 : i32, i32
  }
  func.func @transform_32(%arg0: i32, %arg1: memref<512xi32, #tpu.memory_space<smem>>, %arg2: memref<512xi32, #tpu.memory_space<smem>>) -> (i32, i32) {
    %mul3A = arith.constant 8 : i32
    %mul3A_0 = arith.muli %arg0, %mul3A : i32
    %add3A = arith.constant 5 : i32
    %add3A_1 = arith.addi %mul3A_0, %add3A : i32
    %mul3A_2 = arith.constant 8 : i32
    %mul3A_3 = arith.muli %add3A_1, %mul3A_2 : i32
    %add3A_4 = arith.constant 2 : i32
    %add3A_5 = arith.addi %mul3A_3, %add3A_4 : i32
    %get3A = arith.index_cast %add3A_5 : i32 to index
    %get3A_6 = memref.load %arg1[%get3A] : memref<512xi32, #tpu.memory_space<smem>>
    %c0_i32 = arith.constant 0 : i32
    %c0_i32_7 = arith.constant 0 : i32
    return %c0_i32, %get3A_6 : i32, i32
  }
  func.func @transform_33(%arg0: i32, %arg1: memref<512xi32, #tpu.memory_space<smem>>, %arg2: memref<512xi32, #tpu.memory_space<smem>>) -> (i32, i32) {
    %mul3A = arith.constant 8 : i32
    %mul3A_0 = arith.muli %arg0, %mul3A : i32
    %add3A = arith.constant 5 : i32
    %add3A_1 = arith.addi %mul3A_0, %add3A : i32
    %mul3A_2 = arith.constant 8 : i32
    %mul3A_3 = arith.muli %add3A_1, %mul3A_2 : i32
    %add3A_4 = arith.constant 3 : i32
    %add3A_5 = arith.addi %mul3A_3, %add3A_4 : i32
    %get3A = arith.index_cast %add3A_5 : i32 to index
    %get3A_6 = memref.load %arg1[%get3A] : memref<512xi32, #tpu.memory_space<smem>>
    %c0_i32 = arith.constant 0 : i32
    %c0_i32_7 = arith.constant 0 : i32
    return %c0_i32, %get3A_6 : i32, i32
  }
  func.func @transform_34(%arg0: i32, %arg1: memref<512xi32, #tpu.memory_space<smem>>, %arg2: memref<512xi32, #tpu.memory_space<smem>>) -> (i32, i32) {
    %mul3A = arith.constant 8 : i32
    %mul3A_0 = arith.muli %arg0, %mul3A : i32
    %add3A = arith.constant 5 : i32
    %add3A_1 = arith.addi %mul3A_0, %add3A : i32
    %mul3A_2 = arith.constant 8 : i32
    %mul3A_3 = arith.muli %add3A_1, %mul3A_2 : i32
    %add3A_4 = arith.constant 4 : i32
    %add3A_5 = arith.addi %mul3A_3, %add3A_4 : i32
    %get3A = arith.index_cast %add3A_5 : i32 to index
    %get3A_6 = memref.load %arg1[%get3A] : memref<512xi32, #tpu.memory_space<smem>>
    %c0_i32 = arith.constant 0 : i32
    %c0_i32_7 = arith.constant 0 : i32
    return %c0_i32, %get3A_6 : i32, i32
  }
  func.func @transform_35(%arg0: i32, %arg1: memref<512xi32, #tpu.memory_space<smem>>, %arg2: memref<512xi32, #tpu.memory_space<smem>>) -> (i32, i32) {
    %mul3A = arith.constant 8 : i32
    %mul3A_0 = arith.muli %arg0, %mul3A : i32
    %add3A = arith.constant 5 : i32
    %add3A_1 = arith.addi %mul3A_0, %add3A : i32
    %mul3A_2 = arith.constant 8 : i32
    %mul3A_3 = arith.muli %add3A_1, %mul3A_2 : i32
    %add3A_4 = arith.constant 5 : i32
    %add3A_5 = arith.addi %mul3A_3, %add3A_4 : i32
    %get3A = arith.index_cast %add3A_5 : i32 to index
    %get3A_6 = memref.load %arg1[%get3A] : memref<512xi32, #tpu.memory_space<smem>>
    %c0_i32 = arith.constant 0 : i32
    %c0_i32_7 = arith.constant 0 : i32
    return %c0_i32, %get3A_6 : i32, i32
  }
  func.func @transform_36(%arg0: i32, %arg1: memref<512xi32, #tpu.memory_space<smem>>, %arg2: memref<512xi32, #tpu.memory_space<smem>>) -> (i32, i32) {
    %mul3A = arith.constant 8 : i32
    %mul3A_0 = arith.muli %arg0, %mul3A : i32
    %add3A = arith.constant 6 : i32
    %add3A_1 = arith.addi %mul3A_0, %add3A : i32
    %mul3A_2 = arith.constant 8 : i32
    %mul3A_3 = arith.muli %add3A_1, %mul3A_2 : i32
    %add3A_4 = arith.constant 0 : i32
    %add3A_5 = arith.addi %mul3A_3, %add3A_4 : i32
    %get3A = arith.index_cast %add3A_5 : i32 to index
    %get3A_6 = memref.load %arg1[%get3A] : memref<512xi32, #tpu.memory_space<smem>>
    %c0_i32 = arith.constant 0 : i32
    %c0_i32_7 = arith.constant 0 : i32
    return %c0_i32, %get3A_6 : i32, i32
  }
  func.func @transform_37(%arg0: i32, %arg1: memref<512xi32, #tpu.memory_space<smem>>, %arg2: memref<512xi32, #tpu.memory_space<smem>>) -> (i32, i32) {
    %mul3A = arith.constant 8 : i32
    %mul3A_0 = arith.muli %arg0, %mul3A : i32
    %add3A = arith.constant 6 : i32
    %add3A_1 = arith.addi %mul3A_0, %add3A : i32
    %mul3A_2 = arith.constant 8 : i32
    %mul3A_3 = arith.muli %add3A_1, %mul3A_2 : i32
    %add3A_4 = arith.constant 1 : i32
    %add3A_5 = arith.addi %mul3A_3, %add3A_4 : i32
    %get3A = arith.index_cast %add3A_5 : i32 to index
    %get3A_6 = memref.load %arg1[%get3A] : memref<512xi32, #tpu.memory_space<smem>>
    %c0_i32 = arith.constant 0 : i32
    %c0_i32_7 = arith.constant 0 : i32
    return %c0_i32, %get3A_6 : i32, i32
  }
  func.func @transform_38(%arg0: i32, %arg1: memref<512xi32, #tpu.memory_space<smem>>, %arg2: memref<512xi32, #tpu.memory_space<smem>>) -> (i32, i32) {
    %mul3A = arith.constant 8 : i32
    %mul3A_0 = arith.muli %arg0, %mul3A : i32
    %add3A = arith.constant 6 : i32
    %add3A_1 = arith.addi %mul3A_0, %add3A : i32
    %mul3A_2 = arith.constant 8 : i32
    %mul3A_3 = arith.muli %add3A_1, %mul3A_2 : i32
    %add3A_4 = arith.constant 2 : i32
    %add3A_5 = arith.addi %mul3A_3, %add3A_4 : i32
    %get3A = arith.index_cast %add3A_5 : i32 to index
    %get3A_6 = memref.load %arg1[%get3A] : memref<512xi32, #tpu.memory_space<smem>>
    %c0_i32 = arith.constant 0 : i32
    %c0_i32_7 = arith.constant 0 : i32
    return %c0_i32, %get3A_6 : i32, i32
  }
  func.func @transform_39(%arg0: i32, %arg1: memref<512xi32, #tpu.memory_space<smem>>, %arg2: memref<512xi32, #tpu.memory_space<smem>>) -> (i32, i32) {
    %mul3A = arith.constant 8 : i32
    %mul3A_0 = arith.muli %arg0, %mul3A : i32
    %add3A = arith.constant 6 : i32
    %add3A_1 = arith.addi %mul3A_0, %add3A : i32
    %mul3A_2 = arith.constant 8 : i32
    %mul3A_3 = arith.muli %add3A_1, %mul3A_2 : i32
    %add3A_4 = arith.constant 3 : i32
    %add3A_5 = arith.addi %mul3A_3, %add3A_4 : i32
    %get3A = arith.index_cast %add3A_5 : i32 to index
    %get3A_6 = memref.load %arg1[%get3A] : memref<512xi32, #tpu.memory_space<smem>>
    %c0_i32 = arith.constant 0 : i32
    %c0_i32_7 = arith.constant 0 : i32
    return %c0_i32, %get3A_6 : i32, i32
  }
  func.func @transform_40(%arg0: i32, %arg1: memref<512xi32, #tpu.memory_space<smem>>, %arg2: memref<512xi32, #tpu.memory_space<smem>>) -> (i32, i32) {
    %mul3A = arith.constant 8 : i32
    %mul3A_0 = arith.muli %arg0, %mul3A : i32
    %add3A = arith.constant 6 : i32
    %add3A_1 = arith.addi %mul3A_0, %add3A : i32
    %mul3A_2 = arith.constant 8 : i32
    %mul3A_3 = arith.muli %add3A_1, %mul3A_2 : i32
    %add3A_4 = arith.constant 4 : i32
    %add3A_5 = arith.addi %mul3A_3, %add3A_4 : i32
    %get3A = arith.index_cast %add3A_5 : i32 to index
    %get3A_6 = memref.load %arg1[%get3A] : memref<512xi32, #tpu.memory_space<smem>>
    %c0_i32 = arith.constant 0 : i32
    %c0_i32_7 = arith.constant 0 : i32
    return %c0_i32, %get3A_6 : i32, i32
  }
  func.func @transform_41(%arg0: i32, %arg1: memref<512xi32, #tpu.memory_space<smem>>, %arg2: memref<512xi32, #tpu.memory_space<smem>>) -> (i32, i32) {
    %mul3A = arith.constant 8 : i32
    %mul3A_0 = arith.muli %arg0, %mul3A : i32
    %add3A = arith.constant 6 : i32
    %add3A_1 = arith.addi %mul3A_0, %add3A : i32
    %mul3A_2 = arith.constant 8 : i32
    %mul3A_3 = arith.muli %add3A_1, %mul3A_2 : i32
    %add3A_4 = arith.constant 5 : i32
    %add3A_5 = arith.addi %mul3A_3, %add3A_4 : i32
    %get3A = arith.index_cast %add3A_5 : i32 to index
    %get3A_6 = memref.load %arg1[%get3A] : memref<512xi32, #tpu.memory_space<smem>>
    %c0_i32 = arith.constant 0 : i32
    %c0_i32_7 = arith.constant 0 : i32
    return %c0_i32, %get3A_6 : i32, i32
  }
  func.func @transform_42(%arg0: i32, %arg1: memref<512xi32, #tpu.memory_space<smem>>, %arg2: memref<512xi32, #tpu.memory_space<smem>>) -> (i32, i32) {
    %mul3A = arith.constant 8 : i32
    %mul3A_0 = arith.muli %arg0, %mul3A : i32
    %add3A = arith.constant 7 : i32
    %add3A_1 = arith.addi %mul3A_0, %add3A : i32
    %mul3A_2 = arith.constant 8 : i32
    %mul3A_3 = arith.muli %add3A_1, %mul3A_2 : i32
    %add3A_4 = arith.constant 0 : i32
    %add3A_5 = arith.addi %mul3A_3, %add3A_4 : i32
    %get3A = arith.index_cast %add3A_5 : i32 to index
    %get3A_6 = memref.load %arg1[%get3A] : memref<512xi32, #tpu.memory_space<smem>>
    %c0_i32 = arith.constant 0 : i32
    %c0_i32_7 = arith.constant 0 : i32
    return %c0_i32, %get3A_6 : i32, i32
  }
  func.func @transform_43(%arg0: i32, %arg1: memref<512xi32, #tpu.memory_space<smem>>, %arg2: memref<512xi32, #tpu.memory_space<smem>>) -> (i32, i32) {
    %mul3A = arith.constant 8 : i32
    %mul3A_0 = arith.muli %arg0, %mul3A : i32
    %add3A = arith.constant 7 : i32
    %add3A_1 = arith.addi %mul3A_0, %add3A : i32
    %mul3A_2 = arith.constant 8 : i32
    %mul3A_3 = arith.muli %add3A_1, %mul3A_2 : i32
    %add3A_4 = arith.constant 1 : i32
    %add3A_5 = arith.addi %mul3A_3, %add3A_4 : i32
    %get3A = arith.index_cast %add3A_5 : i32 to index
    %get3A_6 = memref.load %arg1[%get3A] : memref<512xi32, #tpu.memory_space<smem>>
    %c0_i32 = arith.constant 0 : i32
    %c0_i32_7 = arith.constant 0 : i32
    return %c0_i32, %get3A_6 : i32, i32
  }
  func.func @transform_44(%arg0: i32, %arg1: memref<512xi32, #tpu.memory_space<smem>>, %arg2: memref<512xi32, #tpu.memory_space<smem>>) -> (i32, i32) {
    %mul3A = arith.constant 8 : i32
    %mul3A_0 = arith.muli %arg0, %mul3A : i32
    %add3A = arith.constant 7 : i32
    %add3A_1 = arith.addi %mul3A_0, %add3A : i32
    %mul3A_2 = arith.constant 8 : i32
    %mul3A_3 = arith.muli %add3A_1, %mul3A_2 : i32
    %add3A_4 = arith.constant 2 : i32
    %add3A_5 = arith.addi %mul3A_3, %add3A_4 : i32
    %get3A = arith.index_cast %add3A_5 : i32 to index
    %get3A_6 = memref.load %arg1[%get3A] : memref<512xi32, #tpu.memory_space<smem>>
    %c0_i32 = arith.constant 0 : i32
    %c0_i32_7 = arith.constant 0 : i32
    return %c0_i32, %get3A_6 : i32, i32
  }
  func.func @transform_45(%arg0: i32, %arg1: memref<512xi32, #tpu.memory_space<smem>>, %arg2: memref<512xi32, #tpu.memory_space<smem>>) -> (i32, i32) {
    %mul3A = arith.constant 8 : i32
    %mul3A_0 = arith.muli %arg0, %mul3A : i32
    %add3A = arith.constant 7 : i32
    %add3A_1 = arith.addi %mul3A_0, %add3A : i32
    %mul3A_2 = arith.constant 8 : i32
    %mul3A_3 = arith.muli %add3A_1, %mul3A_2 : i32
    %add3A_4 = arith.constant 3 : i32
    %add3A_5 = arith.addi %mul3A_3, %add3A_4 : i32
    %get3A = arith.index_cast %add3A_5 : i32 to index
    %get3A_6 = memref.load %arg1[%get3A] : memref<512xi32, #tpu.memory_space<smem>>
    %c0_i32 = arith.constant 0 : i32
    %c0_i32_7 = arith.constant 0 : i32
    return %c0_i32, %get3A_6 : i32, i32
  }
  func.func @transform_46(%arg0: i32, %arg1: memref<512xi32, #tpu.memory_space<smem>>, %arg2: memref<512xi32, #tpu.memory_space<smem>>) -> (i32, i32) {
    %mul3A = arith.constant 8 : i32
    %mul3A_0 = arith.muli %arg0, %mul3A : i32
    %add3A = arith.constant 7 : i32
    %add3A_1 = arith.addi %mul3A_0, %add3A : i32
    %mul3A_2 = arith.constant 8 : i32
    %mul3A_3 = arith.muli %add3A_1, %mul3A_2 : i32
    %add3A_4 = arith.constant 4 : i32
    %add3A_5 = arith.addi %mul3A_3, %add3A_4 : i32
    %get3A = arith.index_cast %add3A_5 : i32 to index
    %get3A_6 = memref.load %arg1[%get3A] : memref<512xi32, #tpu.memory_space<smem>>
    %c0_i32 = arith.constant 0 : i32
    %c0_i32_7 = arith.constant 0 : i32
    return %c0_i32, %get3A_6 : i32, i32
  }
  func.func @transform_47(%arg0: i32, %arg1: memref<512xi32, #tpu.memory_space<smem>>, %arg2: memref<512xi32, #tpu.memory_space<smem>>) -> (i32, i32) {
    %mul3A = arith.constant 8 : i32
    %mul3A_0 = arith.muli %arg0, %mul3A : i32
    %add3A = arith.constant 7 : i32
    %add3A_1 = arith.addi %mul3A_0, %add3A : i32
    %mul3A_2 = arith.constant 8 : i32
    %mul3A_3 = arith.muli %add3A_1, %mul3A_2 : i32
    %add3A_4 = arith.constant 5 : i32
    %add3A_5 = arith.addi %mul3A_3, %add3A_4 : i32
    %get3A = arith.index_cast %add3A_5 : i32 to index
    %get3A_6 = memref.load %arg1[%get3A] : memref<512xi32, #tpu.memory_space<smem>>
    %c0_i32 = arith.constant 0 : i32
    %c0_i32_7 = arith.constant 0 : i32
    return %c0_i32, %get3A_6 : i32, i32
  }
  func.func @transform_48(%arg0: i32, %arg1: memref<512xi32, #tpu.memory_space<smem>>, %arg2: memref<512xi32, #tpu.memory_space<smem>>) -> (i32, i32) {
    %c0_i32 = arith.constant 0 : i32
    %c0_i32_0 = arith.constant 0 : i32
    %c0_i32_1 = arith.constant 0 : i32
    return %c0_i32, %c0_i32_0 : i32, i32
  }
  func.func @transform_49(%arg0: i32, %arg1: memref<512xi32, #tpu.memory_space<smem>>, %arg2: memref<512xi32, #tpu.memory_space<smem>>) -> (i32, i32) {
    %c0_i32 = arith.constant 0 : i32
    %c0_i32_0 = arith.constant 0 : i32
    %c0_i32_1 = arith.constant 0 : i32
    return %c0_i32, %c0_i32_0 : i32, i32
  }
}

</mosaic_0001>

<sc_bundles>
// kernel: kernel.4.cloned.1.call-start
scs
__scs_entry_jumppad:
0x0: {  	(pc) =	sbr.rel $0x88, $3  }
0x1: {  	(tag) =	ssettag $0x0;
	lr =	simm.s32 $0x1  }
0x2: {  	[smem:$0x3F9D] =	sst lr;
	_ =	strace $0xD0000000  }
0x3: {  	_ = 	snop  }
0x4: {  	_ = 	snop  }
0x5: {  	_ = 	snop  }
0x6: {  	_ = 	snop  }
0x7: {  	_ = 	snop  }
__scs_overlays_trampoline_lowered:
0x8: {  	[smem:$0x3FAC] =	sst s0  }
0x9: {  	[smem:$0x3FAD] =	sst s1  }
0xa: {  	[smem:$0x3FAE] =	sst s2  }
0xb: {  	[smem:$0x3FAF] =	sst s3  }
0xc: {  	[smem:$0x3FB0] =	sst s4  }
0xd: {  	[smem:$0x3FB1] =	sst s5  }
0xe: {  	[smem:$0x3FB2] =	sst s6  }
0xf: {  	[smem:$0x3FB3] =	sst s7  }
0x10: {  	[smem:$0x3FB4] =	sst s8  }
0x11: {  	[smem:$0x3FB5] =	sst s9;
	s0 =	simm.s32 @!p0 $0x0  }
0x12: {  	s1 =	sld [smem:$0x3F9B];
	s0 =	simm.s32 @p0 $0x1  }
0x13: {  	[smem:$0x3FB6] =	sst s0;
	s0 =	simm.s32 @!p1 $0x0  }
0x14: {  	s2 =	sld [smem:$0x3F9A];
	s0 =	simm.s32 @p1 $0x1  }
0x15: {  	[smem:$0x3FB7] =	sst s0;
	s0 =	simm.s32 @!p2 $0x0  }
0x16: {  	s3 =	sld [smem:$0x3FDB];
	s0 =	simm.s32 @p2 $0x1  }
0x17: {  	s4 =	simm.s32 $0x1BF5;
	[smem:$0x3FB9] =	sst s0  }
0x18: {  	s0 =	sld [smem:$0x3F9C];
	_ =	swait.ge [sflag:s4], $0x0  }
0x19: {  	s7 =	sld [smem:$0x3F9D]  }
0x1a: {  	s8 =	sadd.s32 $0xFFFFE003, lr  }
0x1b: {  	s9 =	sadd.s32 $0xFFFFFEF7, lr;
	s5 =	simm.s32 $0xFFFFFFFF;
	p2 =	slt.u32 s8, $0xFFFFF086  }
0x1c: {  	p1 =	slt.u32 s9, $0xF7A;
	s5 =	simm.s32 @!p2 $0x0  }
0x1d: {  	s5 =	simm.s32 @p1 $0x1;
	p0 =	seq.s32 s7, s2  }
0x1e: {  	s7 =	smul.u32 @!p0 $0xF7A, s2;
	p2 =	seq.s32 @!p0 s5, $0x0  }
0x1f: {  	s9 =	smul.u32 $0xF7A, s1;
	s8 =	simm.s32 @!p0 $0x1BF5;
	p2 =	por !p2, p0  }
0x20: {  	[sflag:s8] =	ssyncset.s32 @!p0 $0xFFFFF086;
	s6 =	sadd.s32 @!p0 s3, s7;
	s7 =	simm.s32 @!p0 $0x108  }
0x21: {  	s3 =	sadd.s32 s3, s9;
	s6 =	sadd.s32 @!p0 $0x88, s6;
	s7 =	simm.s32 @p2 $0x1082  }
0x22: {  	[simem:s7], [sflag:s8] =	dma.local @!p0 [hbm:s6], $0xF7A  }
0x23: {  	s9 =	sor.u32 $0xD0000000, s2;
	s6 =	simm.s32 $0x108;
	_ =	swait.ge @!p0 [sflag:s8], $0x0  }
0x24: {  	s3 =	sadd.s32 $0x88, s3;
	s6 =	simm.s32 @!p1 $0x1082;
	[sflag:s4] =	ssyncset.s32 $0xFFFFF086  }
0x25: {  	[simem:s6], [sflag:s4] =	dma.local [hbm:s3], $0xF7A  }
0x26: {  	[smem:$0x3F9D] =	sst s1;
	(tag) =	ssettag s2;
	_ =	strace s9  }
0x27: {  	s1 =	sld [smem:$0x3FAD]  }
0x28: {  	s2 =	sld [smem:$0x3FAE]  }
0x29: {  	s4 =	sld [smem:$0x3FB0]  }
0x2a: {  	p0 =	seq.s32 s5, $0x0;
	s5 =	sld [smem:$0x3FB1]  }
0x2b: {  	s6 =	sld [smem:$0x3FB2]  }
0x2c: {  	s7 =	sld [smem:$0x3FB3]  }
0x2d: {  	s3 =	simm.s32 $0x108;
	s8 =	sld [smem:$0x3FB4]  }
0x2e: {  	s3 =	simm.s32 @!p0 $0x1082;
	s9 =	sld [smem:$0x3FB5]  }
0x2f: {  	lr =	sadd.s32 s0, s3;
	s0 =	sld [smem:$0x3FAC]  }
0x30: {  	s3 =	sld [smem:$0x3FAF]  }
0x31: {  	[smem:$0x3FB8] =	sst s10  }
0x32: {  	s10 =	sld [smem:$0x3FB6];
	_ =	sdelay $0x3  }
0x33: {  	p0 =	seq.s32 s10, $0x1;
	s10 =	sld [smem:$0x3FB8];
	_ =	sdelay $0x3  }
0x34: {  	[smem:$0x3FB8] =	sst s10  }
0x35: {  	s10 =	sld [smem:$0x3FB7];
	_ =	sdelay $0x3  }
0x36: {  	p1 =	seq.s32 s10, $0x1;
	s10 =	sld [smem:$0x3FB8];
	_ =	sdelay $0x3  }
0x37: {  	[smem:$0x3FB8] =	sst s10  }
0x38: {  	s10 =	sld [smem:$0x3FB9]  }
0x39: {  	_ = 	snop;
	(pc) =	sbr.ind lr, $3  }
0x3a: {  	_ = 	snop  }
0x3b: {  	_ = 	snop  }
0x3c: {  	p2 =	seq.s32 s10, $0x1;
	s10 =	sld [smem:$0x3FB8]  }
0x3d: {  	_ =	shalt  }
0x3e: {  	_ =	shalt  }
0x3f: {  	_ =	shalt  }
0x40: {  	_ =	shalt  }
0x41: {  	_ =	shalt  }
0x42: {  	_ =	shalt  }
0x43: {  	_ =	shalt  }
0x44: {  	_ =	shalt  }
0x45: {  	_ =	shalt  }
0x46: {  	_ =	shalt  }
0x47: {  	_ =	shalt  }
0x48: {  	_ =	shalt  }
0x49: {  	_ =	shalt  }
0x4a: {  	_ =	shalt  }
0x4b: {  	_ =	shalt  }
0x4c: {  	_ =	shalt  }
0x4d: {  	_ =	shalt  }
0x4e: {  	_ =	shalt  }
0x4f: {  	_ =	shalt  }
0x50: {  	_ =	shalt  }
0x51: {  	_ =	shalt  }
0x52: {  	_ =	shalt  }
0x53: {  	_ =	shalt  }
0x54: {  	_ =	shalt  }
0x55: {  	_ =	shalt  }
0x56: {  	_ =	shalt  }
0x57: {  	_ =	shalt  }
0x58: {  	_ =	shalt  }
0x59: {  	_ =	shalt  }
0x5a: {  	_ =	shalt  }
0x5b: {  	_ =	shalt  }
0x5c: {  	_ =	shalt  }
0x5d: {  	_ =	shalt  }
0x5e: {  	_ =	shalt  }
0x5f: {  	_ =	shalt  }
0x60: {  	_ =	shalt  }
0x61: {  	_ =	shalt  }
0x62: {  	_ =	shalt  }
0x63: {  	_ =	shalt  }
0x64: {  	_ =	shalt  }
0x65: {  	_ =	shalt  }
0x66: {  	_ =	shalt  }
0x67: {  	_ =	shalt  }
0x68: {  	_ =	shalt  }
0x69: {  	_ =	shalt  }
0x6a: {  	_ =	shalt  }
0x6b: {  	_ =	shalt  }
0x6c: {  	_ =	shalt  }
0x6d: {  	_ =	shalt  }
0x6e: {  	_ =	shalt  }
0x6f: {  	_ =	shalt  }
0x70: {  	_ =	shalt  }
0x71: {  	_ =	shalt  }
0x72: {  	_ =	shalt  }
0x73: {  	_ =	shalt  }
0x74: {  	_ =	shalt  }
0x75: {  	_ =	shalt  }
0x76: {  	_ =	shalt  }
0x77: {  	_ =	shalt  }
0x78: {  	_ =	shalt  }
0x79: {  	_ =	shalt  }
0x7a: {  	_ =	shalt  }
0x7b: {  	_ =	shalt  }
0x7c: {  	_ =	shalt  }
0x7d: {  	_ =	shalt  }
0x7e: {  	_ =	shalt  }
0x7f: {  	_ =	shalt  }
0x80: {  	_ =	shalt  }
0x81: {  	_ =	shalt  }
0x82: {  	_ =	shalt  }
0x83: {  	_ =	shalt  }
0x84: {  	_ =	shalt  }
0x85: {  	_ =	shalt  }
0x86: {  	_ =	shalt  }
0x87: {  	_ =	shalt  }
.Lfunc_end0:
.L_simem_size_0:
called_computation_lowered:
.L_overlay_start_0:
0x88: {  	s2 =	sld [smem:$0x3FD9]  }
0x89: {  	s3 =	sld [smem:$0x3FFE];
	_ =	sdelay $0x1  }
0x8a: {  	s1 =	srdreg.scid  }
0x8b: {  	s0 =	sand.u32 $0x1, s1  }
0x8c: {  	s17 =	sshll.u32 s0, $0xA;
	s2 =	sadd.s32 s3, s2  }
0x8d: {  	s2 =	sadd.s32 s2, s17  }
0x8e: {  	[smem:$0x3FC4] =	sst s2  }
0x8f: {  	_ = 	snop  }
0x90: {  	s2 =	sld [smem:$0x3FD0];
	(tm) =	ssettm $0x1  }
0x91: {  	s18 =	sld [smem:$0x3FFB];
	_ =	sdelay $0x3  }
0x92: {  	_ =	strace s18  }
0x93: {  	s3 =	sld [smem:$0x3FFC];
	_ =	sdelay $0x3  }
0x94: {  	_ =	strace s3  }
0x95: {  	s3 =	sld [smem:$0x3FFD];
	_ =	sdelay $0x3  }
0x96: {  	_ =	strace s3  }
0x97: {  	_ =	strace $0x8FFFFFFF  }
0x98: {  	s19 =	sld [smem:$0x3FDB];
	_ =	sdelay $0x1  }
0x99: {  	s4 =	simm.s32 $_scs_section_size  }
0x9a: {  	s5 =	simm.s32 $_size__tile_overlayer_lowered;
	s6 =	simm.s32 $_tile_overlayer_lowered  }
0x9b: {  	s22 =	simm.s32 $0x1BFF;
	s21 =	sshll.u32 s6, $0x1;
	s3 =	sadd.s32 s4, s19  }
0x9c: {  	s7 =	simm.s32 $0x0;
	s20 =	sshll.u32 s5, $0x1;
	s5 =	sadd.s32 s21, s3  }
0x9d: {  	[timem:s7], [sflag:s22] =	dma.local [hbm:s5], s20  }
0x9e: {  	_ =	swait.ge [sflag:s22], s20  }
0x9f: {  	s4 =	ssub.s32 $0x0, s20;
	[sflag:s22] =	ssyncset.done $0x0  }
0xa0: {  	[sflag:s22] =	ssyncadd.s32 s4;
	_ =	sdelay $0x1  }
0xa1: {  	s23 =	simm.s32 $0x1B8B  }
0xa2: {  	_ =	swait.ge [sflag:s23], $0x1  }
0xa3: {  	[sflag:s23] =	ssyncset.done $0x0  }
0xa4: {  	s25 =	simm.s32 $0x1B8E;
	s24 =	sld [smem:$0x3FFE];
	[sflag:s23] =	ssyncadd.s32 $0xFFFFFFFF  }
0xa5: {  	s26 =	simm.s32 $execute0_lowered;
	[smem:$0x3FD2] =	sst s25  }
0xa6: {  	s5 =	sshll.u32 s26, $0x1;
	_ =	strace $0x80000046;
	[dreg:$0x1] =	wrdreg $0xFFFFFFFF  }
0xa7: {  	s28 =	simm.s32 $_size_execute0_lowered;
	s3 =	sadd.s32 s3, s5;
	[dreg:$0x0] =	wrdreg $0x0  }
0xa8: {  	s5 =	sshll.u32 s28, $0x1;
	[dreg:$0x2] =	wrdreg s3  }
0xa9: {  	[dreg:$0x3] =	wrdreg s5  }
0xaa: {  	[dreg:$0x4] =	wrdreg $0xC0  }
0xab: {  	_ =	task [dreg:s7], $0x5FFFF  }
0xac: {  	[dreg:$0x1] =	wrdreg $0xFFFFFFFF  }
0xad: {  	[dreg:$0x0] =	wrdreg $0x60  }
0xae: {  	[dreg:$0x2] =	wrdreg s24  }
0xaf: {  	[dreg:$0x3] =	wrdreg s2  }
0xb0: {  	[dreg:$0x4] =	wrdreg $0x9  }
0xb1: {  	_ =	task.clear_ibuf [dreg:s7], $0x5FFFF;
	_ =	strace $0x90000046  }
0xb2: {  	s29 =	simm.s32 $0x9;
	_ =	strace $0x80000048  }
0xb3: {  	_ =	swait.ge [sflag:s29], $0x1  }
0xb4: {  	[sflag:s29] =	ssyncadd.s32 $0xFFFFFFFF  }
0xb5: {  	_ =	strace $0x90000048  }
0xb6: {  	_ =	sfence  }
0xb7: {  	s30 =	sld [smem:$0x0];
	_ =	sdelay $0x2  }
0xb8: {  	s31 =	sshll.u32 s1, $0xD;
	s1 =	sshrl.u32 s1, $0x2  }
0xb9: {  	s3 =	sand.u32 $0x4000, s31;
	s1 =	sadd.s32 s1, s30  }
0xba: {  	s0 =	sor.u32 s3, s0;
	s1 =	sshll.u32 s1, $0x11  }
0xbb: {  	s0 =	sor.u32 s1, s0  }
0xbc: {  	s0 =	sadd.s32 $0x8F2B, s0  }
0xbd: {  	[sflag:s0] =	ssyncadd.remote.s32 $0x1  }
0xbe: {  	_ =	sfence.sel $0xFFFF  }
0xbf: {  	[dreg:$0x0] =	wrdreg $0xFFFFFFFF;
	(pc) =	sbr.abs _section_cstart, $3  }
0xc0: {  	[dreg:$0x1] =	wrdreg $0xFFFFFFFF  }
0xc1: {  	_ =	task.clear_ibuf [dreg:s7], $0x2FFFF;
	_ =	strace $0x9FFFFFFF  }
0xc2: {  	(tm) =	ssettm $0x7FFFFFFF  }
0xc3: {  	_ =	shalt  }
tec
execute0_lowered:
.L_overlay_start_1:
0x0: {  	(tag) =	ssettag $0x1  }
0x1: {  	s1 =	srdreg.scid;
	s0 =	stileid.u32  }
0x2: {  	s16 =	sand.u32 $0x1, s1;
	s30 =	sshll.u32 s0, $0x1  }
0x3: {  	s5 =	rddreg [dreg:$0x0];
	s17 =	sor.u32 s16, s30  }
0x4: {  	s18 =	rddreg [dreg:$0x1];
	s3 =	smul.u32 $0x50, s17  }
0x5: {  	s2 =	simm.s32 $0x0;
	s1 =	rddreg [dreg:$0x2]  }
0x6: {  	[smem:$0x7FF] =	sst s2;
	s3 =	sadd.s32 s3, s5  }
0x7: {  	_ =	strace $0x80000047;
	s4 =	sadd.s32 $0xA00, s3;
	s3 =	simm.s32 $0x2  }
0x8: {  	[tilespmem:s2], [sflag:$0x2] =	stream.linear.gather [hbm4b:s4+s2], $0x280, $0x38;
	[tilespmem:$0xA280] =	vst v63  }
0x9: {  	_ =	swait.ge [sflag:s3], $0x280  }
0xa: {  	s6 =	simm.s32 $0x80;
	[sflag:s3] =	ssyncset.done $0x0  }
0xb: {  	s7 =	simm.s32 $0x280;
	s5 =	sadd.s32 $0x800, s5;
	[sflag:s3] =	ssyncadd.s32 $0xFFFFFD80  }
0xc: {  	[tilespmem:s7], [sflag:$0x1] =	stream.indirect.gather [hbm4b:s5+s6], $0x40, s2, s6, $0xb8;
	[tilespmem:$0xA280] =	vst v63  }
0xd: {  	s8 =	simm.s32 $0x2280  }
0xe: {  	[tilespmem:s8], [sflag:$0x1] =	stream.indirect.gather [hbm4b:s5+s6], $0x40, s6, s6, $0xb8;
	[tilespmem:$0xA280] =	vst v63  }
0xf: {  	s9 =	simm.s32 $0x100;
	s10 =	simm.s32 $0x4280  }
0x10: {  	[tilespmem:s10], [sflag:$0x1] =	stream.indirect.gather [hbm4b:s5+s6], $0x40, s9, s6, $0xb8;
	[tilespmem:$0xA280] =	vst v63  }
0x11: {  	s11 =	simm.s32 $0x180;
	s12 =	simm.s32 $0x6280  }
0x12: {  	[tilespmem:s12], [sflag:$0x1] =	stream.indirect.gather [hbm4b:s5+s6], $0x40, s11, s6, $0xb8;
	[tilespmem:$0xA280] =	vst v63  }
0x13: {  	s13 =	simm.s32 $0x200;
	s14 =	simm.s32 $0x8280;
	s15 =	simm.s32 $0x1  }
0x14: {  	[tilespmem:s14], [sflag:$0x1] =	stream.indirect.gather [hbm4b:s5+s6], $0x40, s13, s6, $0xb8;
	[tilespmem:$0xA280] =	vst v63  }
0x15: {  	_ =	swait.ge [sflag:s15], $0x2000  }
0x16: {  	[sflag:s15] =	ssyncset.done $0x0  }
0x17: {  	[sflag:s15] =	ssyncadd.s32 $0xFFFFE000  }
0x18: {  	_ =	swait.ge [sflag:s15], $0x2000  }
0x19: {  	[sflag:s15] =	ssyncset.done $0x0  }
0x1a: {  	[sflag:s15] =	ssyncadd.s32 $0xFFFFE000  }
0x1b: {  	_ =	swait.ge [sflag:s15], $0x2000  }
0x1c: {  	[sflag:s15] =	ssyncset.done $0x0  }
0x1d: {  	s16 =	ssub.s32 $0x2, s16;
	[sflag:s15] =	ssyncadd.s32 $0xFFFFE000  }
0x1e: {  	s19 =	sshrl.u32 s16, $0x1;
	_ =	swait.ge [sflag:s15], $0x2000  }
0x1f: {  	s19 =	ssub.s32 s16, s19;
	[sflag:s15] =	ssyncset.done $0x0  }
0x20: {  	s31 =	smax.u32 s19, $0x1;
	[sflag:s15] =	ssyncadd.s32 $0xFFFFE000  }
0x21: {  	s17 =	smul.u32 $0x1400, s17;
	p0 =	sne.s32 s31, $0x1;
	_ =	swait.ge [sflag:s15], $0x2000  }
.Ltmp0:
0x22: {  	[sflag:s15] =	ssyncset.done $0x0;
	(pc) =	sbr.rel @!p0 .LBB2_2-.Ltmp0, $4  }
0x23: {  	s16 =	sadd.s32 s18, s17;
	[sflag:s15] =	ssyncadd.s32 $0xFFFFE000  }
0x24: {  	[hbm4b:s16+s2] =	stream.linear.scatter [tilespmem:s7], [sflag:$0x2], $0xA000, $0x38;
	[tilespmem:$0xA280] =	vst v63  }
0x25: {  	_ =	swait.ge [sflag:s3], $0xA000  }
0x26: {  	s17 =	sadd.s32 $0xFFFFFFFF, s31;
	[sflag:s3] =	ssyncset.done $0x0  }
.LBB2_1:
0x27: {  	p0 =	sne.s32 s17, $0x1;
	s17 =	sadd.s32 $0xFFFFFFFF, s17;
	[sflag:s3] =	ssyncadd.s32 $0xFFFF6000  }
0x28: {  	[tilespmem:s2], [sflag:$0x2] =	stream.linear.gather [hbm4b:s4+s2], $0x280, $0x38;
	[tilespmem:$0xA280] =	vst v63  }
0x29: {  	_ =	swait.ge [sflag:s3], $0x280  }
0x2a: {  	[sflag:s3] =	ssyncset.done $0x0  }
0x2b: {  	[sflag:s3] =	ssyncadd.s32 $0xFFFFFD80  }
0x2c: {  	[tilespmem:s7], [sflag:$0x1] =	stream.indirect.gather [hbm4b:s5+s6], $0x40, s2, s6, $0xb8;
	[tilespmem:$0xA280] =	vst v63  }
0x2d: {  	_ = 	snop  }
0x2e: {  	[tilespmem:s8], [sflag:$0x1] =	stream.indirect.gather [hbm4b:s5+s6], $0x40, s6, s6, $0xb8;
	[tilespmem:$0xA280] =	vst v63  }
0x2f: {  	_ = 	snop  }
0x30: {  	[tilespmem:s10], [sflag:$0x1] =	stream.indirect.gather [hbm4b:s5+s6], $0x40, s9, s6, $0xb8;
	[tilespmem:$0xA280] =	vst v63  }
0x31: {  	_ = 	snop  }
0x32: {  	[tilespmem:s12], [sflag:$0x1] =	stream.indirect.gather [hbm4b:s5+s6], $0x40, s11, s6, $0xb8;
	[tilespmem:$0xA280] =	vst v63  }
0x33: {  	_ = 	snop  }
0x34: {  	[tilespmem:s14], [sflag:$0x1] =	stream.indirect.gather [hbm4b:s5+s6], $0x40, s13, s6, $0xb8;
	[tilespmem:$0xA280] =	vst v63  }
0x35: {  	_ =	swait.ge [sflag:s15], $0x2000  }
0x36: {  	[sflag:s15] =	ssyncset.done $0x0  }
0x37: {  	[sflag:s15] =	ssyncadd.s32 $0xFFFFE000  }
0x38: {  	_ =	swait.ge [sflag:s15], $0x2000  }
0x39: {  	[sflag:s15] =	ssyncset.done $0x0  }
0x3a: {  	[sflag:s15] =	ssyncadd.s32 $0xFFFFE000  }
0x3b: {  	_ =	swait.ge [sflag:s15], $0x2000  }
0x3c: {  	[sflag:s15] =	ssyncset.done $0x0  }
0x3d: {  	[sflag:s15] =	ssyncadd.s32 $0xFFFFE000  }
0x3e: {  	_ =	swait.ge [sflag:s15], $0x2000  }
0x3f: {  	[sflag:s15] =	ssyncset.done $0x0  }
0x40: {  	[sflag:s15] =	ssyncadd.s32 $0xFFFFE000  }
0x41: {  	_ =	swait.ge [sflag:s15], $0x2000  }
.Ltmp1:
0x42: {  	[sflag:s15] =	ssyncset.done $0x0;
	(pc) =	sbr.rel @p0 .LBB2_1-.Ltmp1, $4  }
0x43: {  	[sflag:s15] =	ssyncadd.s32 $0xFFFFE000  }
0x44: {  	[hbm4b:s16+s2] =	stream.linear.scatter [tilespmem:s7], [sflag:$0x2], $0xA000, $0x38;
	[tilespmem:$0xA280] =	vst v63  }
0x45: {  	_ =	swait.ge [sflag:s3], $0xA000  }
0x46: {  	[sflag:s3] =	ssyncset.done $0x0  }
.LBB2_2:
0x47: {  	[sflag:s3] =	ssyncadd.s32 $0xFFFF6000  }
0x48: {  	_ =	sfence.sel $0x180000  }
0x49: {  	[bflag:$0x0] =	sbarrier.arrive $0xFFFF  }
0x4a: {  	p0 =	sne.s32 s0, $0x0;
	_ =	strace $0x90000047  }
0x4b: {  	s0 =	sadd.s32 @!p0 $0x100000, s1;
	[bflag:$0x2] =	sbarrier.arrive $0xFFFF  }
0x4c: {  	[sflag:s0] =	ssyncadd.tile.s32 @!p0 $0x1;
	_ =	shalt  }
.Lfunc_end2:
_tile_overlayer_lowered:
.L_overlay_start_2:
0x4d: {  	(tag) =	ssettag $0x2  }
0x4e: {  	s0 =	rddreg [dreg:$0x0];
	s2 =	stileid.u32  }
0x4f: {  	s1 =	rddreg [dreg:$0x1];
	p0 =	sne.s32 s2, $0x0  }
0x50: {  	s3 =	rddreg [dreg:$0x2];
	[bflag:$0x3] =	sbarrier.arrive $0xFFFF;
	s2 =	simm.s32 @!p0 $0x1C02  }
0x51: {  	[timem:s3], [sflag:s2] =	dma.local @!p0 [hbm:s0], s1  }
0x52: {  	s0 =	simm.s32 @!p0 $0x2  }
0x53: {  	_ =	swait.ge @!p0 [sflag:s0], s1  }
0x54: {  	s1 =	ssub.s32 @!p0 $0x0, s1;
	[sflag:s0] =	ssyncset.done @!p0 $0x0  }
0x55: {  	[sflag:s0] =	ssyncadd.s32 @!p0 s1  }
0x56: {  	[bflag:$0x3] =	sbarrier.arrive $0xFFFF  }
0x57: {  	_ =	shalt  }

</sc_bundles>
